<compile_context>
chip_gen: v7x
topology: tpu7x:2x2x1
jax: 0.10.2.dev20260603
libtpu: 0.0.44.dev20260713+nightly
codegen_flags: <defaults>
</compile_context>

<pallas_src>
import functools

import jax
import jax.numpy as jnp
from jax import lax
from jax.experimental import pallas as pl
from jax.experimental.pallas import tpu as pltpu
from jax.experimental.pallas import tpu_sc as plsc



def _routing_body(ids_ref, w_ref, sidx_ref, gidx_ref, wk_ref, base_ref, *,
                  n_experts, cap, blk):
    @pl.when(pl.program_id(0) == 0)
    def _():
        base_ref[...] = jnp.zeros_like(base_ref)

    ids_row = ids_ref[0]
    w_row = w_ref[0]
    e_iota = lax.broadcasted_iota(jnp.int32, (n_experts, blk), 0)
    ohf = (e_iota == ids_row).astype(jnp.float32)
    tri = (lax.broadcasted_iota(jnp.int32, (blk, blk), 0)
           <= lax.broadcasted_iota(jnp.int32, (blk, blk), 1)
           ).astype(jnp.float32)
    run = lax.dot_general(ohf, tri, (((1,), (0,)), ((), ())),
                          preferred_element_type=jnp.float32)
    base_col = base_ref[:, 0:1]
    posf = jnp.sum(ohf * (run + base_col), axis=0, keepdims=True) - 1.0
    pos = posf.astype(jnp.int32)
    keep = pos < cap
    slot = ids_row * cap + pos
    sidx_ref[0] = jnp.where(keep, slot, n_experts * cap)
    gidx_ref[0] = jnp.where(keep, slot, ids_row * cap)
    wk_ref[0] = jnp.where(keep, w_row, 0.0)
    base_ref[:, 0:1] = base_col + jnp.sum(ohf, axis=1, keepdims=True)


def _routing(ids3, w3, n_experts, cap):
    nb, _, blk = ids3.shape
    body = functools.partial(_routing_body, n_experts=n_experts, cap=cap, blk=blk)
    spec = pl.BlockSpec((1, 1, blk), lambda b: (b, 0, 0))
    return pl.pallas_call(
        body,
        grid=(nb,),
        in_specs=[spec, spec],
        out_specs=[spec, spec, spec],
        out_shape=[jax.ShapeDtypeStruct((nb, 1, blk), jnp.int32),
                   jax.ShapeDtypeStruct((nb, 1, blk), jnp.int32),
                   jax.ShapeDtypeStruct((nb, 1, blk), jnp.float32)],
        scratch_shapes=[pltpu.VMEM((n_experts, 128), jnp.float32)],
    )(ids3, w3)



def _dispatch(hidden, sidx, nrows):
    t, d = hidden.shape
    info = plsc.get_sparse_core_info()
    nw = info.num_cores * info.num_subcores
    chunk = t // nw
    mesh = plsc.VectorSubcoreMesh(core_axis_name="c", subcore_axis_name="s")

    @functools.partial(
        pl.kernel, mesh=mesh,
        out_type=jax.ShapeDtypeStruct((nrows, d), jnp.float32),
        scratch_types=[pltpu.VMEM((chunk,), jnp.int32),
                       pltpu.VMEM((chunk, d), jnp.float32),
                       pltpu.SemaphoreType.DMA,
                       pltpu.SemaphoreType.DMA],
    )
    def dispatch_k(hid_hbm, sidx_hbm, disp_hbm, idx_v, rows_v, sem_i, sem_r):
        wid = lax.axis_index("s") * info.num_cores + lax.axis_index("c")
        base = wid * chunk
        cp_i = pltpu.async_copy(sidx_hbm.at[pl.ds(base, chunk)], idx_v, sem_i)
        cp_r = pltpu.async_copy(hid_hbm.at[pl.ds(base, chunk)], rows_v, sem_r)
        cp_i.wait()
        cp_r.wait()
        pltpu.async_copy(rows_v, disp_hbm.at[idx_v], sem_r).wait()

    return dispatch_k(hidden, sidx)



def _ffn_body(x_ref, w13_ref, w2_ref, o_ref, *, inter):
    x = x_ref[...]
    gu = lax.dot_general(x, w13_ref[0], (((1,), (1,)), ((), ())),
                         preferred_element_type=jnp.float32)
    g = gu[:, :inter]
    u = gu[:, inter:]
    h = g * (1.0 / (1.0 + jnp.exp(-g))) * u
    o_ref[...] = lax.dot_general(h, w2_ref[0], (((1,), (1,)), ((), ())),
                                 preferred_element_type=jnp.float32)


def _ffn(dispatched, w13, w2, cap):
    n_experts, two_i, d = w13.shape
    inter = two_i // 2
    return pl.pallas_call(
        functools.partial(_ffn_body, inter=inter),
        grid=(n_experts,),
        in_specs=[pl.BlockSpec((cap, d), lambda e: (e, 0)),
                  pl.BlockSpec((1, two_i, d), lambda e: (e, 0, 0)),
                  pl.BlockSpec((1, d, inter), lambda e: (e, 0, 0))],
        out_specs=pl.BlockSpec((cap, d), lambda e: (e, 0)),
        out_shape=jax.ShapeDtypeStruct((n_experts * cap, d), jnp.float32),
    )(dispatched, w13, w2)



def _combine(eout, gidx, wk16, t, d):
    info = plsc.get_sparse_core_info()
    nw = info.num_cores * info.num_subcores
    lanes = info.num_lanes
    chunk = t // nw
    mesh = plsc.VectorSubcoreMesh(core_axis_name="c", subcore_axis_name="s")

    @functools.partial(
        pl.kernel, mesh=mesh,
        out_type=jax.ShapeDtypeStruct((t, d), jnp.float32),
        scratch_types=[pltpu.VMEM((chunk // 2,), jnp.int32),
                       pltpu.VMEM((chunk // 2,), jnp.int32),
                       pltpu.VMEM((chunk, lanes), jnp.float32),
                       pltpu.VMEM((chunk, d), jnp.float32),
                       pltpu.SemaphoreType.DMA,
                       pltpu.SemaphoreType.DMA,
                       pltpu.SemaphoreType.DMA],
    )
    def combine_k(eout_hbm, gidx_hbm, wk_hbm, out_hbm, idx_a, idx_b, wk_v,
                  rows_v, sem_a, sem_b, sem_w):
        wid = lax.axis_index("s") * info.num_cores + lax.axis_index("c")
        base = wid * chunk
        half = chunk // 2
        cp_a = pltpu.async_copy(gidx_hbm.at[pl.ds(base, half)], idx_a, sem_a)
        cp_b = pltpu.async_copy(gidx_hbm.at[pl.ds(base + half, half)], idx_b,
                                sem_b)
        cp_w = pltpu.async_copy(wk_hbm.at[pl.ds(base, chunk)], wk_v, sem_w)
        cp_a.wait()
        ga = pltpu.async_copy(eout_hbm.at[idx_a], rows_v.at[pl.ds(0, half)],
                              sem_a)
        cp_b.wait()
        gb = pltpu.async_copy(eout_hbm.at[idx_b], rows_v.at[pl.ds(half, half)],
                              sem_b)
        cp_w.wait()
        ga.wait()

        def scale_row(r, carry):
            wv = wk_v[r, :]
            for j in range(d // lanes):
                sl = pl.ds(j * lanes, lanes)
                rows_v[r, sl] = rows_v[r, sl] * wv
            return carry

        lax.fori_loop(0, half, scale_row, 0)
        st_a = pltpu.async_copy(rows_v.at[pl.ds(0, half)],
                                out_hbm.at[pl.ds(base, half)], sem_a)
        gb.wait()
        lax.fori_loop(half, chunk, scale_row, 0)
        pltpu.async_copy(rows_v.at[pl.ds(half, half)],
                         out_hbm.at[pl.ds(base + half, half)], sem_b).wait()
        st_a.wait()

    return combine_k(eout, gidx, wk16)



def kernel(hidden_states, topk_weights, topk_ids, w13, w2,
           num_global_tokens, max_num_tokens_per_gpu):
    t, d = hidden_states.shape
    n_experts = w13.shape[0]
    k = topk_ids.shape[1]
    n = t * k
    cap = ((n + n_experts - 1) // n_experts) * 2
    blk = 256
    nb = n // blk

    ids3 = topk_ids.reshape(nb, 1, blk).astype(jnp.int32)
    w3 = topk_weights.reshape(nb, 1, blk).astype(jnp.float32)
    sidx3, gidx3, wk3 = _routing(ids3, w3, n_experts, cap)

    nrows = n_experts * cap + cap
    dispatched = _dispatch(hidden_states, sidx3.reshape(n), nrows)
    eout = _ffn(dispatched, w13, w2, cap)
    wk16 = jnp.broadcast_to(wk3.reshape(n, 1), (n, 16))
    return _combine(eout, gidx3.reshape(n), wk16, t, d)

# --- scband reference (transcript-rebuilt; emitter-appended) ---
"""Pipeline reference for scband-mo-elayer-78752520339551 (READ-ONLY COPY).

The authoritative reference and input builder live on the scoring server;
editing this copy changes nothing except your own understanding.
"""

import jax, jax.numpy as jnp
import numpy as np

E = 64
K = 1
D = 768
I = 1024
T = 2048
CAP = 64  # capacity factor 2.0: ceil(T*K/E)*2


def setup_inputs(seed: int = 0) -> dict:
    key = jax.random.key(seed)
    k1, k2, k3, k4, k5 = jax.random.split(key, 5)
    hidden_states = jax.random.normal(k1, (T, D), dtype=jnp.float32)
    topk_ids = jax.random.randint(k2, (T, K), 0, E, dtype=jnp.int32)
    w = jax.random.uniform(k3, (T, K), dtype=jnp.float32) + 0.1
    topk_weights = w / jnp.sum(w, axis=-1, keepdims=True)
    # concatenated w13 layout: rows [0:I] = gate proj, rows [I:2I] = up proj
    w13 = jax.random.normal(k4, (E, 2 * I, D), dtype=jnp.float32) * 0.02
    w2 = jax.random.normal(k5, (E, D, I), dtype=jnp.float32) * 0.02
    return {
        "hidden_states": hidden_states,
        "topk_weights": topk_weights,
        "topk_ids": topk_ids,
        "w13": w13,
        "w2": w2,
        "num_global_tokens": T,
        "max_num_tokens_per_gpu": T,
    }


def _moe_forward(hidden_states, topk_weights, w13, w2, topk_ids):
    # dispatch: compute per-expert slot position for each (token, k) assignment
    flat_ids = topk_ids.reshape(-1).astype(jnp.int32)  # [T*K]
    oh = jax.nn.one_hot(flat_ids, E, dtype=jnp.int32)  # [T*K, E]
    pos = jnp.cumsum(oh, axis=0) - 1
    pos = jnp.take_along_axis(pos, flat_ids[:, None], axis=1)[:, 0]  # [T*K]
    keep = pos < CAP
    safe_pos = jnp.where(keep, pos, 0)
    keep_f = keep[:, None].astype(hidden_states.dtype)
    tok = jnp.repeat(hidden_states, K, axis=0)  # [T*K, D]
    dispatched = jnp.zeros((E, CAP, D), dtype=hidden_states.dtype)
    dispatched = dispatched.at[flat_ids, safe_pos].add(tok * keep_f)
    # expert FFN (SwiGLU/silu): w13 concatenated -> gate, up
    w_gate = w13[:, :I, :]
    w_up = w13[:, I:, :]
    g = jnp.einsum('ecd,efd->ecf', dispatched, w_gate)
    u = jnp.einsum('ecd,efd->ecf', dispatched, w_up)
    h = jax.nn.silu(g) * u
    expert_out = jnp.einsum('ecf,edf->ecd', h, w2)  # [E, CAP, D]
    # combine: gather each assignment back, weight by router prob, sum over k
    gathered = expert_out[flat_ids, safe_pos] * keep_f  # [T*K, D]
    weighted = gathered * topk_weights.reshape(-1)[:, None]
    return weighted.reshape(T, K, D).sum(axis=1)


def reference(hidden_states, topk_weights, topk_ids, w13, w2, num_global_tokens, max_num_tokens_per_gpu):
    return _moe_forward(hidden_states, topk_weights, w13, w2, topk_ids)

if __name__ == "__main__":
    import jax
    _d = setup_inputs()
    print(jax.jit(kernel)(*tuple(_d.values())))

</pallas_src>

<mosaic_0001>
#map = affine_map<(d0, d1) -> (0, 0)>
#map1 = affine_map<(d0, d1) -> (0)>
module attributes {stable_mosaic.version = 14 : i64} {
  func.func @dispatch_k(%arg0: i32, %arg1: i32, %arg2: memref<2048x768xf32, #tpu.memory_space<hbm>>, %arg3: memref<2048xi32, #tpu.memory_space<hbm>>, %arg4: memref<4160x768xf32, #tpu.memory_space<hbm>>, %arg5: memref<64xi32, #tpu.memory_space<vmem>>, %arg6: memref<64x768xf32, #tpu.memory_space<vmem>>, %arg7: memref<!tpu.dma_semaphore, #tpu.memory_space<semaphore_mem>>, %arg8: memref<!tpu.dma_semaphore, #tpu.memory_space<semaphore_mem>>) attributes {dimension_semantics = [#tpu.dimension_semantics<core_parallel>, #tpu.dimension_semantics<subcore_parallel>], iteration_bounds = array<i64: 2, 16>, scalar_prefetch = 0 : i64, scratch_operands = 4 : i64, tpu.core_type = #tpu.core_type<sc_vector_subcore>, window_params = [{transform_indices = #map}, {transform_indices = #map1}, {transform_indices = #map}]} {
    %mul3A = arith.constant 2 : i32
    %mul3A_0 = arith.muli %arg1, %mul3A : i32
    %add3A = arith.addi %mul3A_0, %arg0 : i32
    %mul3A_1 = arith.constant 64 : i32
    %mul3A_2 = arith.muli %add3A, %mul3A_1 : i32
    %dma_start3A = tpu.memref_slice %arg3[%mul3A_2] : memref<2048xi32, #tpu.memory_space<hbm>> -> memref<64xi32, #tpu.memory_space<hbm>>
    %dma_start3A_3 = tpu.memref_slice %arg3[%mul3A_2] : memref<2048xi32, #tpu.memory_space<hbm>> -> memref<64xi32, #tpu.memory_space<hbm>>
    tpu.enqueue_dma source(%dma_start3A_3 : memref<64xi32, #tpu.memory_space<hbm>>) target(%arg5 : memref<64xi32, #tpu.memory_space<vmem>>) target_semaphore(%arg7 : memref<!tpu.dma_semaphore, #tpu.memory_space<semaphore_mem>>)
    %dma_start3A_4 = arith.constant 0 : i32
    %dma_start3A_5 = tpu.memref_slice %arg2[%mul3A_2, %dma_start3A_4] : memref<2048x768xf32, #tpu.memory_space<hbm>> -> memref<64x768xf32, #tpu.memory_space<hbm>>
    %dma_start3A_6 = arith.constant 0 : i32
    %dma_start3A_7 = tpu.memref_slice %arg2[%mul3A_2, %dma_start3A_6] : memref<2048x768xf32, #tpu.memory_space<hbm>> -> memref<64x768xf32, #tpu.memory_space<hbm>>
    tpu.enqueue_dma source(%dma_start3A_7 : memref<64x768xf32, #tpu.memory_space<hbm>>) target(%arg6 : memref<64x768xf32, #tpu.memory_space<vmem>>) target_semaphore(%arg8 : memref<!tpu.dma_semaphore, #tpu.memory_space<semaphore_mem>>)
    %dma_wait3A = tpu.memref_slice %arg3[%mul3A_2] : memref<2048xi32, #tpu.memory_space<hbm>> -> memref<64xi32, #tpu.memory_space<hbm>>
    %dma_wait3A_8 = tpu.memref_slice %arg3[%mul3A_2] : memref<2048xi32, #tpu.memory_space<hbm>> -> memref<64xi32, #tpu.memory_space<hbm>>
    tpu.wait_dma2 semaphore(%arg7 : memref<!tpu.dma_semaphore, #tpu.memory_space<semaphore_mem>>) src(%dma_wait3A_8 : memref<64xi32, #tpu.memory_space<hbm>>) dst(%arg5 : memref<64xi32, #tpu.memory_space<vmem>>)
    %dma_wait3A_9 = arith.constant 0 : i32
    %dma_wait3A_10 = tpu.memref_slice %arg2[%mul3A_2, %dma_wait3A_9] : memref<2048x768xf32, #tpu.memory_space<hbm>> -> memref<64x768xf32, #tpu.memory_space<hbm>>
    %dma_wait3A_11 = arith.constant 0 : i32
    %dma_wait3A_12 = tpu.memref_slice %arg2[%mul3A_2, %dma_wait3A_11] : memref<2048x768xf32, #tpu.memory_space<hbm>> -> memref<64x768xf32, #tpu.memory_space<hbm>>
    tpu.wait_dma2 semaphore(%arg8 : memref<!tpu.dma_semaphore, #tpu.memory_space<semaphore_mem>>) src(%dma_wait3A_12 : memref<64x768xf32, #tpu.memory_space<hbm>>) dst(%arg6 : memref<64x768xf32, #tpu.memory_space<vmem>>)
    %dma_start3A_13 = arith.constant 0 : i32
    %dma_start3A_14 = arith.constant 0 : i32
    %dma_start3A_15 = tpu.memref_slice %arg4[%dma_start3A_13, %dma_start3A_14] : memref<4160x768xf32, #tpu.memory_space<hbm>> -> memref<4160x768xf32, #tpu.memory_space<hbm>>
    tpu.enqueue_indirect_dma source(%arg6 : memref<64x768xf32, #tpu.memory_space<vmem>>) target(%dma_start3A_15 : memref<4160x768xf32, #tpu.memory_space<hbm>>) offsets(%arg5 : memref<64xi32, #tpu.memory_space<vmem>>) semaphore(%arg8 : memref<!tpu.dma_semaphore, #tpu.memory_space<semaphore_mem>>)
    %dma_wait3A_16 = arith.constant 0 : i32
    %dma_wait3A_17 = arith.constant 0 : i32
    %dma_wait3A_18 = tpu.memref_slice %arg4[%dma_wait3A_16, %dma_wait3A_17] : memref<4160x768xf32, #tpu.memory_space<hbm>> -> memref<4160x768xf32, #tpu.memory_space<hbm>>
    tpu.wait_indirect_dma semaphore(%arg8 : memref<!tpu.dma_semaphore, #tpu.memory_space<semaphore_mem>>) src(%arg6 : memref<64x768xf32, #tpu.memory_space<vmem>>) dst(%dma_wait3A_18 : memref<4160x768xf32, #tpu.memory_space<hbm>>)
    return
  }
}

#map = affine_map<(d0, d1) -> (0, 0)>
#map1 = affine_map<(d0, d1) -> (0)>
module attributes {stable_mosaic.version = 14 : i64} {
  func.func @combine_k(%arg0: i32, %arg1: i32, %arg2: memref<4096x768xf32, #tpu.memory_space<hbm>>, %arg3: memref<2048xi32, #tpu.memory_space<hbm>>, %arg4: memref<2048x16xf32, #tpu.memory_space<hbm>>, %arg5: memref<2048x768xf32, #tpu.memory_space<hbm>>, %arg6: memref<32xi32, #tpu.memory_space<vmem>>, %arg7: memref<32xi32, #tpu.memory_space<vmem>>, %arg8: memref<64x16xf32, #tpu.memory_space<vmem>>, %arg9: memref<64x768xf32, #tpu.memory_space<vmem>>, %arg10: memref<!tpu.dma_semaphore, #tpu.memory_space<semaphore_mem>>, %arg11: memref<!tpu.dma_semaphore, #tpu.memory_space<semaphore_mem>>, %arg12: memref<!tpu.dma_semaphore, #tpu.memory_space<semaphore_mem>>) attributes {dimension_semantics = [#tpu.dimension_semantics<core_parallel>, #tpu.dimension_semantics<subcore_parallel>], iteration_bounds = array<i64: 2, 16>, scalar_prefetch = 0 : i64, scratch_operands = 7 : i64, tpu.core_type = #tpu.core_type<sc_vector_subcore>, window_params = [{transform_indices = #map}, {transform_indices = #map1}, {transform_indices = #map}, {transform_indices = #map}]} {
    %mul3A = arith.constant 2 : i32
    %mul3A_0 = arith.muli %arg1, %mul3A : i32
    %add3A = arith.addi %mul3A_0, %arg0 : i32
    %mul3A_1 = arith.constant 64 : i32
    %mul3A_2 = arith.muli %add3A, %mul3A_1 : i32
    %dma_start3A = tpu.memref_slice %arg3[%mul3A_2] : memref<2048xi32, #tpu.memory_space<hbm>> -> memref<32xi32, #tpu.memory_space<hbm>>
    %dma_start3A_3 = tpu.memref_slice %arg3[%mul3A_2] : memref<2048xi32, #tpu.memory_space<hbm>> -> memref<32xi32, #tpu.memory_space<hbm>>
    tpu.enqueue_dma source(%dma_start3A_3 : memref<32xi32, #tpu.memory_space<hbm>>) target(%arg6 : memref<32xi32, #tpu.memory_space<vmem>>) target_semaphore(%arg10 : memref<!tpu.dma_semaphore, #tpu.memory_space<semaphore_mem>>)
    %add3A_4 = arith.constant 32 : i32
    %add3A_5 = arith.addi %mul3A_2, %add3A_4 : i32
    %dma_start3A_6 = tpu.memref_slice %arg3[%add3A_5] : memref<2048xi32, #tpu.memory_space<hbm>> -> memref<32xi32, #tpu.memory_space<hbm>>
    %dma_start3A_7 = tpu.memref_slice %arg3[%add3A_5] : memref<2048xi32, #tpu.memory_space<hbm>> -> memref<32xi32, #tpu.memory_space<hbm>>
    tpu.enqueue_dma source(%dma_start3A_7 : memref<32xi32, #tpu.memory_space<hbm>>) target(%arg7 : memref<32xi32, #tpu.memory_space<vmem>>) target_semaphore(%arg11 : memref<!tpu.dma_semaphore, #tpu.memory_space<semaphore_mem>>)
    %dma_start3A_8 = arith.constant 0 : i32
    %dma_start3A_9 = tpu.memref_slice %arg4[%mul3A_2, %dma_start3A_8] : memref<2048x16xf32, #tpu.memory_space<hbm>> -> memref<64x16xf32, #tpu.memory_space<hbm>>
    %dma_start3A_10 = arith.constant 0 : i32
    %dma_start3A_11 = tpu.memref_slice %arg4[%mul3A_2, %dma_start3A_10] : memref<2048x16xf32, #tpu.memory_space<hbm>> -> memref<64x16xf32, #tpu.memory_space<hbm>>
    tpu.enqueue_dma source(%dma_start3A_11 : memref<64x16xf32, #tpu.memory_space<hbm>>) target(%arg8 : memref<64x16xf32, #tpu.memory_space<vmem>>) target_semaphore(%arg12 : memref<!tpu.dma_semaphore, #tpu.memory_space<semaphore_mem>>)
    %dma_wait3A = tpu.memref_slice %arg3[%mul3A_2] : memref<2048xi32, #tpu.memory_space<hbm>> -> memref<32xi32, #tpu.memory_space<hbm>>
    %dma_wait3A_12 = tpu.memref_slice %arg3[%mul3A_2] : memref<2048xi32, #tpu.memory_space<hbm>> -> memref<32xi32, #tpu.memory_space<hbm>>
    tpu.wait_dma2 semaphore(%arg10 : memref<!tpu.dma_semaphore, #tpu.memory_space<semaphore_mem>>) src(%dma_wait3A_12 : memref<32xi32, #tpu.memory_space<hbm>>) dst(%arg6 : memref<32xi32, #tpu.memory_space<vmem>>)
    %dma_start3A_13 = arith.constant 0 : i32
    %dma_start3A_14 = arith.constant 0 : i32
    %dma_start3A_15 = tpu.memref_slice %arg9[%dma_start3A_13, %dma_start3A_14] : memref<64x768xf32, #tpu.memory_space<vmem>> -> memref<32x768xf32, #tpu.memory_space<vmem>>
    %dma_start3A_16 = arith.constant 0 : i32
    %dma_start3A_17 = arith.constant 0 : i32
    %dma_start3A_18 = tpu.memref_slice %arg2[%dma_start3A_16, %dma_start3A_17] : memref<4096x768xf32, #tpu.memory_space<hbm>> -> memref<4096x768xf32, #tpu.memory_space<hbm>>
    tpu.enqueue_indirect_dma source(%dma_start3A_18 : memref<4096x768xf32, #tpu.memory_space<hbm>>) target(%dma_start3A_15 : memref<32x768xf32, #tpu.memory_space<vmem>>) offsets(%arg6 : memref<32xi32, #tpu.memory_space<vmem>>) semaphore(%arg10 : memref<!tpu.dma_semaphore, #tpu.memory_space<semaphore_mem>>)
    %dma_wait3A_19 = tpu.memref_slice %arg3[%add3A_5] : memref<2048xi32, #tpu.memory_space<hbm>> -> memref<32xi32, #tpu.memory_space<hbm>>
    %dma_wait3A_20 = tpu.memref_slice %arg3[%add3A_5] : memref<2048xi32, #tpu.memory_space<hbm>> -> memref<32xi32, #tpu.memory_space<hbm>>
    tpu.wait_dma2 semaphore(%arg11 : memref<!tpu.dma_semaphore, #tpu.memory_space<semaphore_mem>>) src(%dma_wait3A_20 : memref<32xi32, #tpu.memory_space<hbm>>) dst(%arg7 : memref<32xi32, #tpu.memory_space<vmem>>)
    %dma_start3A_21 = arith.constant 32 : i32
    %dma_start3A_22 = arith.constant 0 : i32
    %dma_start3A_23 = tpu.memref_slice %arg9[%dma_start3A_21, %dma_start3A_22] : memref<64x768xf32, #tpu.memory_space<vmem>> -> memref<32x768xf32, #tpu.memory_space<vmem>>
    %dma_start3A_24 = arith.constant 0 : i32
    %dma_start3A_25 = arith.constant 0 : i32
    %dma_start3A_26 = tpu.memref_slice %arg2[%dma_start3A_24, %dma_start3A_25] : memref<4096x768xf32, #tpu.memory_space<hbm>> -> memref<4096x768xf32, #tpu.memory_space<hbm>>
    tpu.enqueue_indirect_dma source(%dma_start3A_26 : memref<4096x768xf32, #tpu.memory_space<hbm>>) target(%dma_start3A_23 : memref<32x768xf32, #tpu.memory_space<vmem>>) offsets(%arg7 : memref<32xi32, #tpu.memory_space<vmem>>) semaphore(%arg11 : memref<!tpu.dma_semaphore, #tpu.memory_space<semaphore_mem>>)
    %dma_wait3A_27 = arith.constant 0 : i32
    %dma_wait3A_28 = tpu.memref_slice %arg4[%mul3A_2, %dma_wait3A_27] : memref<2048x16xf32, #tpu.memory_space<hbm>> -> memref<64x16xf32, #tpu.memory_space<hbm>>
    %dma_wait3A_29 = arith.constant 0 : i32
    %dma_wait3A_30 = tpu.memref_slice %arg4[%mul3A_2, %dma_wait3A_29] : memref<2048x16xf32, #tpu.memory_space<hbm>> -> memref<64x16xf32, #tpu.memory_space<hbm>>
    tpu.wait_dma2 semaphore(%arg12 : memref<!tpu.dma_semaphore, #tpu.memory_space<semaphore_mem>>) src(%dma_wait3A_30 : memref<64x16xf32, #tpu.memory_space<hbm>>) dst(%arg8 : memref<64x16xf32, #tpu.memory_space<vmem>>)
    %dma_wait3A_31 = arith.constant 0 : i32
    %dma_wait3A_32 = arith.constant 0 : i32
    %dma_wait3A_33 = tpu.memref_slice %arg9[%dma_wait3A_31, %dma_wait3A_32] : memref<64x768xf32, #tpu.memory_space<vmem>> -> memref<32x768xf32, #tpu.memory_space<vmem>>
    %dma_wait3A_34 = arith.constant 0 : i32
    %dma_wait3A_35 = arith.constant 0 : i32
    %dma_wait3A_36 = tpu.memref_slice %arg2[%dma_wait3A_34, %dma_wait3A_35] : memref<4096x768xf32, #tpu.memory_space<hbm>> -> memref<4096x768xf32, #tpu.memory_space<hbm>>
    tpu.wait_indirect_dma semaphore(%arg10 : memref<!tpu.dma_semaphore, #tpu.memory_space<semaphore_mem>>) src(%dma_wait3A_36 : memref<4096x768xf32, #tpu.memory_space<hbm>>) dst(%dma_wait3A_33 : memref<32x768xf32, #tpu.memory_space<vmem>>)
    %scan3A = arith.constant 0 : i32
    %scan3A_37 = arith.constant 0 : i32
    %scan3A_38 = arith.constant 32 : i32
    %scan3A_39 = arith.addi %scan3A_37, %scan3A_38 : i32
    %scan3A_40 = arith.constant 1 : i32
    scf.for %scan3A_96 = %scan3A_37 to %scan3A_39 step %scan3A_40  : i32 {
      %get3A = arith.index_cast %scan3A_96 : i32 to index
      %get3A_97 = arith.constant 0 : index
      %get3A_98 = tpu.vector_load %arg8[%get3A, %get3A_97] {strides = array<i32>} : memref<64x16xf32, #tpu.memory_space<vmem>>, vector<1x16xf32>,
      %get3A_99 = vector.shape_cast %get3A_98 : vector<1x16xf32> to vector<16xf32>
      %get3A_100 = arith.index_cast %scan3A_96 : i32 to index
      %get3A_101 = arith.constant 0 : index
      %get3A_102 = tpu.vector_load %arg9[%get3A_100, %get3A_101] {strides = array<i32>} : memref<64x768xf32, #tpu.memory_space<vmem>>, vector<1x16xf32>,
      %get3A_103 = vector.shape_cast %get3A_102 : vector<1x16xf32> to vector<16xf32>
      %mul3A_104 = arith.mulf %get3A_103, %get3A_99 : vector<16xf32>
      %swap3A = arith.index_cast %scan3A_96 : i32 to index
      %swap3A_105 = arith.constant 0 : index
      %swap3A_106 = tpu.vector_load %arg9[%swap3A, %swap3A_105] {strides = array<i32>} : memref<64x768xf32, #tpu.memory_space<vmem>>, vector<1x16xf32>,
      %swap3A_107 = vector.shape_cast %swap3A_106 : vector<1x16xf32> to vector<16xf32>
      %swap3A_108 = vector.shape_cast %mul3A_104 : vector<16xf32> to vector<1x16xf32>
      tpu.vector_store %arg9[%swap3A, %swap3A_105], %swap3A_108 {strides = array<i32>} : memref<64x768xf32, #tpu.memory_space<vmem>>, vector<1x16xf32>,
      %get3A_109 = arith.index_cast %scan3A_96 : i32 to index
      %get3A_110 = arith.constant 16 : index
      %get3A_111 = tpu.vector_load %arg9[%get3A_109, %get3A_110] {strides = array<i32>} : memref<64x768xf32, #tpu.memory_space<vmem>>, vector<1x16xf32>,
      %get3A_112 = vector.shape_cast %get3A_111 : vector<1x16xf32> to vector<16xf32>
      %mul3A_113 = arith.mulf %get3A_112, %get3A_99 : vector<16xf32>
      %swap3A_114 = arith.index_cast %scan3A_96 : i32 to index
      %swap3A_115 = arith.constant 16 : index
      %swap3A_116 = tpu.vector_load %arg9[%swap3A_114, %swap3A_115] {strides = array<i32>} : memref<64x768xf32, #tpu.memory_space<vmem>>, vector<1x16xf32>,
      %swap3A_117 = vector.shape_cast %swap3A_116 : vector<1x16xf32> to vector<16xf32>
      %swap3A_118 = vector.shape_cast %mul3A_113 : vector<16xf32> to vector<1x16xf32>
      tpu.vector_store %arg9[%swap3A_114, %swap3A_115], %swap3A_118 {strides = array<i32>} : memref<64x768xf32, #tpu.memory_space<vmem>>, vector<1x16xf32>,
      %get3A_119 = arith.index_cast %scan3A_96 : i32 to index
      %get3A_120 = arith.constant 32 : index
      %get3A_121 = tpu.vector_load %arg9[%get3A_119, %get3A_120] {strides = array<i32>} : memref<64x768xf32, #tpu.memory_space<vmem>>, vector<1x16xf32>,
      %get3A_122 = vector.shape_cast %get3A_121 : vector<1x16xf32> to vector<16xf32>
      %mul3A_123 = arith.mulf %get3A_122, %get3A_99 : vector<16xf32>
      %swap3A_124 = arith.index_cast %scan3A_96 : i32 to index
      %swap3A_125 = arith.constant 32 : index
      %swap3A_126 = tpu.vector_load %arg9[%swap3A_124, %swap3A_125] {strides = array<i32>} : memref<64x768xf32, #tpu.memory_space<vmem>>, vector<1x16xf32>,
      %swap3A_127 = vector.shape_cast %swap3A_126 : vector<1x16xf32> to vector<16xf32>
      %swap3A_128 = vector.shape_cast %mul3A_123 : vector<16xf32> to vector<1x16xf32>
      tpu.vector_store %arg9[%swap3A_124, %swap3A_125], %swap3A_128 {strides = array<i32>} : memref<64x768xf32, #tpu.memory_space<vmem>>, vector<1x16xf32>,
      %get3A_129 = arith.index_cast %scan3A_96 : i32 to index
      %get3A_130 = arith.constant 48 : index
      %get3A_131 = tpu.vector_load %arg9[%get3A_129, %get3A_130] {strides = array<i32>} : memref<64x768xf32, #tpu.memory_space<vmem>>, vector<1x16xf32>,
      %get3A_132 = vector.shape_cast %get3A_131 : vector<1x16xf32> to vector<16xf32>
      %mul3A_133 = arith.mulf %get3A_132, %get3A_99 : vector<16xf32>
      %swap3A_134 = arith.index_cast %scan3A_96 : i32 to index
      %swap3A_135 = arith.constant 48 : index
      %swap3A_136 = tpu.vector_load %arg9[%swap3A_134, %swap3A_135] {strides = array<i32>} : memref<64x768xf32, #tpu.memory_space<vmem>>, vector<1x16xf32>,
      %swap3A_137 = vector.shape_cast %swap3A_136 : vector<1x16xf32> to vector<16xf32>
      %swap3A_138 = vector.shape_cast %mul3A_133 : vector<16xf32> to vector<1x16xf32>
      tpu.vector_store %arg9[%swap3A_134, %swap3A_135], %swap3A_138 {strides = array<i32>} : memref<64x768xf32, #tpu.memory_space<vmem>>, vector<1x16xf32>,
      %get3A_139 = arith.index_cast %scan3A_96 : i32 to index
      %get3A_140 = arith.constant 64 : index
      %get3A_141 = tpu.vector_load %arg9[%get3A_139, %get3A_140] {strides = array<i32>} : memref<64x768xf32, #tpu.memory_space<vmem>>, vector<1x16xf32>,
      %get3A_142 = vector.shape_cast %get3A_141 : vector<1x16xf32> to vector<16xf32>
      %mul3A_143 = arith.mulf %get3A_142, %get3A_99 : vector<16xf32>
      %swap3A_144 = arith.index_cast %scan3A_96 : i32 to index
      %swap3A_145 = arith.constant 64 : index
      %swap3A_146 = tpu.vector_load %arg9[%swap3A_144, %swap3A_145] {strides = array<i32>} : memref<64x768xf32, #tpu.memory_space<vmem>>, vector<1x16xf32>,
      %swap3A_147 = vector.shape_cast %swap3A_146 : vector<1x16xf32> to vector<16xf32>
      %swap3A_148 = vector.shape_cast %mul3A_143 : vector<16xf32> to vector<1x16xf32>
      tpu.vector_store %arg9[%swap3A_144, %swap3A_145], %swap3A_148 {strides = array<i32>} : memref<64x768xf32, #tpu.memory_space<vmem>>, vector<1x16xf32>,
      %get3A_149 = arith.index_cast %scan3A_96 : i32 to index
      %get3A_150 = arith.constant 80 : index
      %get3A_151 = tpu.vector_load %arg9[%get3A_149, %get3A_150] {strides = array<i32>} : memref<64x768xf32, #tpu.memory_space<vmem>>, vector<1x16xf32>,
      %get3A_152 = vector.shape_cast %get3A_151 : vector<1x16xf32> to vector<16xf32>
      %mul3A_153 = arith.mulf %get3A_152, %get3A_99 : vector<16xf32>
      %swap3A_154 = arith.index_cast %scan3A_96 : i32 to index
      %swap3A_155 = arith.constant 80 : index
      %swap3A_156 = tpu.vector_load %arg9[%swap3A_154, %swap3A_155] {strides = array<i32>} : memref<64x768xf32, #tpu.memory_space<vmem>>, vector<1x16xf32>,
      %swap3A_157 = vector.shape_cast %swap3A_156 : vector<1x16xf32> to vector<16xf32>
      %swap3A_158 = vector.shape_cast %mul3A_153 : vector<16xf32> to vector<1x16xf32>
      tpu.vector_store %arg9[%swap3A_154, %swap3A_155], %swap3A_158 {strides = array<i32>} : memref<64x768xf32, #tpu.memory_space<vmem>>, vector<1x16xf32>,
      %get3A_159 = arith.index_cast %scan3A_96 : i32 to index
      %get3A_160 = arith.constant 96 : index
      %get3A_161 = tpu.vector_load %arg9[%get3A_159, %get3A_160] {strides = array<i32>} : memref<64x768xf32, #tpu.memory_space<vmem>>, vector<1x16xf32>,
      %get3A_162 = vector.shape_cast %get3A_161 : vector<1x16xf32> to vector<16xf32>
      %mul3A_163 = arith.mulf %get3A_162, %get3A_99 : vector<16xf32>
      %swap3A_164 = arith.index_cast %scan3A_96 : i32 to index
      %swap3A_165 = arith.constant 96 : index
      %swap3A_166 = tpu.vector_load %arg9[%swap3A_164, %swap3A_165] {strides = array<i32>} : memref<64x768xf32, #tpu.memory_space<vmem>>, vector<1x16xf32>,
      %swap3A_167 = vector.shape_cast %swap3A_166 : vector<1x16xf32> to vector<16xf32>
      %swap3A_168 = vector.shape_cast %mul3A_163 : vector<16xf32> to vector<1x16xf32>
      tpu.vector_store %arg9[%swap3A_164, %swap3A_165], %swap3A_168 {strides = array<i32>} : memref<64x768xf32, #tpu.memory_space<vmem>>, vector<1x16xf32>,
      %get3A_169 = arith.index_cast %scan3A_96 : i32 to index
      %get3A_170 = arith.constant 112 : index
      %get3A_171 = tpu.vector_load %arg9[%get3A_169, %get3A_170] {strides = array<i32>} : memref<64x768xf32, #tpu.memory_space<vmem>>, vector<1x16xf32>,
      %get3A_172 = vector.shape_cast %get3A_171 : vector<1x16xf32> to vector<16xf32>
      %mul3A_173 = arith.mulf %get3A_172, %get3A_99 : vector<16xf32>
      %swap3A_174 = arith.index_cast %scan3A_96 : i32 to index
      %swap3A_175 = arith.constant 112 : index
      %swap3A_176 = tpu.vector_load %arg9[%swap3A_174, %swap3A_175] {strides = array<i32>} : memref<64x768xf32, #tpu.memory_space<vmem>>, vector<1x16xf32>,
      %swap3A_177 = vector.shape_cast %swap3A_176 : vector<1x16xf32> to vector<16xf32>
      %swap3A_178 = vector.shape_cast %mul3A_173 : vector<16xf32> to vector<1x16xf32>
      tpu.vector_store %arg9[%swap3A_174, %swap3A_175], %swap3A_178 {strides = array<i32>} : memref<64x768xf32, #tpu.memory_space<vmem>>, vector<1x16xf32>,
      %get3A_179 = arith.index_cast %scan3A_96 : i32 to index
      %get3A_180 = arith.constant 128 : index
      %get3A_181 = tpu.vector_load %arg9[%get3A_179, %get3A_180] {strides = array<i32>} : memref<64x768xf32, #tpu.memory_space<vmem>>, vector<1x16xf32>,
      %get3A_182 = vector.shape_cast %get3A_181 : vector<1x16xf32> to vector<16xf32>
      %mul3A_183 = arith.mulf %get3A_182, %get3A_99 : vector<16xf32>
      %swap3A_184 = arith.index_cast %scan3A_96 : i32 to index
      %swap3A_185 = arith.constant 128 : index
      %swap3A_186 = tpu.vector_load %arg9[%swap3A_184, %swap3A_185] {strides = array<i32>} : memref<64x768xf32, #tpu.memory_space<vmem>>, vector<1x16xf32>,
      %swap3A_187 = vector.shape_cast %swap3A_186 : vector<1x16xf32> to vector<16xf32>
      %swap3A_188 = vector.shape_cast %mul3A_183 : vector<16xf32> to vector<1x16xf32>
      tpu.vector_store %arg9[%swap3A_184, %swap3A_185], %swap3A_188 {strides = array<i32>} : memref<64x768xf32, #tpu.memory_space<vmem>>, vector<1x16xf32>,
      %get3A_189 = arith.index_cast %scan3A_96 : i32 to index
      %get3A_190 = arith.constant 144 : index
      %get3A_191 = tpu.vector_load %arg9[%get3A_189, %get3A_190] {strides = array<i32>} : memref<64x768xf32, #tpu.memory_space<vmem>>, vector<1x16xf32>,
      %get3A_192 = vector.shape_cast %get3A_191 : vector<1x16xf32> to vector<16xf32>
      %mul3A_193 = arith.mulf %get3A_192, %get3A_99 : vector<16xf32>
      %swap3A_194 = arith.index_cast %scan3A_96 : i32 to index
      %swap3A_195 = arith.constant 144 : index
      %swap3A_196 = tpu.vector_load %arg9[%swap3A_194, %swap3A_195] {strides = array<i32>} : memref<64x768xf32, #tpu.memory_space<vmem>>, vector<1x16xf32>,
      %swap3A_197 = vector.shape_cast %swap3A_196 : vector<1x16xf32> to vector<16xf32>
      %swap3A_198 = vector.shape_cast %mul3A_193 : vector<16xf32> to vector<1x16xf32>
      tpu.vector_store %arg9[%swap3A_194, %swap3A_195], %swap3A_198 {strides = array<i32>} : memref<64x768xf32, #tpu.memory_space<vmem>>, vector<1x16xf32>,
      %get3A_199 = arith.index_cast %scan3A_96 : i32 to index
      %get3A_200 = arith.constant 160 : index
      %get3A_201 = tpu.vector_load %arg9[%get3A_199, %get3A_200] {strides = array<i32>} : memref<64x768xf32, #tpu.memory_space<vmem>>, vector<1x16xf32>,
      %get3A_202 = vector.shape_cast %get3A_201 : vector<1x16xf32> to vector<16xf32>
      %mul3A_203 = arith.mulf %get3A_202, %get3A_99 : vector<16xf32>
      %swap3A_204 = arith.index_cast %scan3A_96 : i32 to index
      %swap3A_205 = arith.constant 160 : index
      %swap3A_206 = tpu.vector_load %arg9[%swap3A_204, %swap3A_205] {strides = array<i32>} : memref<64x768xf32, #tpu.memory_space<vmem>>, vector<1x16xf32>,
      %swap3A_207 = vector.shape_cast %swap3A_206 : vector<1x16xf32> to vector<16xf32>
      %swap3A_208 = vector.shape_cast %mul3A_203 : vector<16xf32> to vector<1x16xf32>
      tpu.vector_store %arg9[%swap3A_204, %swap3A_205], %swap3A_208 {strides = array<i32>} : memref<64x768xf32, #tpu.memory_space<vmem>>, vector<1x16xf32>,
      %get3A_209 = arith.index_cast %scan3A_96 : i32 to index
      %get3A_210 = arith.constant 176 : index
      %get3A_211 = tpu.vector_load %arg9[%get3A_209, %get3A_210] {strides = array<i32>} : memref<64x768xf32, #tpu.memory_space<vmem>>, vector<1x16xf32>,
      %get3A_212 = vector.shape_cast %get3A_211 : vector<1x16xf32> to vector<16xf32>
      %mul3A_213 = arith.mulf %get3A_212, %get3A_99 : vector<16xf32>
      %swap3A_214 = arith.index_cast %scan3A_96 : i32 to index
      %swap3A_215 = arith.constant 176 : index
      %swap3A_216 = tpu.vector_load %arg9[%swap3A_214, %swap3A_215] {strides = array<i32>} : memref<64x768xf32, #tpu.memory_space<vmem>>, vector<1x16xf32>,
      %swap3A_217 = vector.shape_cast %swap3A_216 : vector<1x16xf32> to vector<16xf32>
      %swap3A_218 = vector.shape_cast %mul3A_213 : vector<16xf32> to vector<1x16xf32>
      tpu.vector_store %arg9[%swap3A_214, %swap3A_215], %swap3A_218 {strides = array<i32>} : memref<64x768xf32, #tpu.memory_space<vmem>>, vector<1x16xf32>,
      %get3A_219 = arith.index_cast %scan3A_96 : i32 to index
      %get3A_220 = arith.constant 192 : index
      %get3A_221 = tpu.vector_load %arg9[%get3A_219, %get3A_220] {strides = array<i32>} : memref<64x768xf32, #tpu.memory_space<vmem>>, vector<1x16xf32>,
      %get3A_222 = vector.shape_cast %get3A_221 : vector<1x16xf32> to vector<16xf32>
      %mul3A_223 = arith.mulf %get3A_222, %get3A_99 : vector<16xf32>
      %swap3A_224 = arith.index_cast %scan3A_96 : i32 to index
      %swap3A_225 = arith.constant 192 : index
      %swap3A_226 = tpu.vector_load %arg9[%swap3A_224, %swap3A_225] {strides = array<i32>} : memref<64x768xf32, #tpu.memory_space<vmem>>, vector<1x16xf32>,
      %swap3A_227 = vector.shape_cast %swap3A_226 : vector<1x16xf32> to vector<16xf32>
      %swap3A_228 = vector.shape_cast %mul3A_223 : vector<16xf32> to vector<1x16xf32>
      tpu.vector_store %arg9[%swap3A_224, %swap3A_225], %swap3A_228 {strides = array<i32>} : memref<64x768xf32, #tpu.memory_space<vmem>>, vector<1x16xf32>,
      %get3A_229 = arith.index_cast %scan3A_96 : i32 to index
      %get3A_230 = arith.constant 208 : index
      %get3A_231 = tpu.vector_load %arg9[%get3A_229, %get3A_230] {strides = array<i32>} : memref<64x768xf32, #tpu.memory_space<vmem>>, vector<1x16xf32>,
      %get3A_232 = vector.shape_cast %get3A_231 : vector<1x16xf32> to vector<16xf32>
      %mul3A_233 = arith.mulf %get3A_232, %get3A_99 : vector<16xf32>
      %swap3A_234 = arith.index_cast %scan3A_96 : i32 to index
      %swap3A_235 = arith.constant 208 : index
      %swap3A_236 = tpu.vector_load %arg9[%swap3A_234, %swap3A_235] {strides = array<i32>} : memref<64x768xf32, #tpu.memory_space<vmem>>, vector<1x16xf32>,
      %swap3A_237 = vector.shape_cast %swap3A_236 : vector<1x16xf32> to vector<16xf32>
      %swap3A_238 = vector.shape_cast %mul3A_233 : vector<16xf32> to vector<1x16xf32>
      tpu.vector_store %arg9[%swap3A_234, %swap3A_235], %swap3A_238 {strides = array<i32>} : memref<64x768xf32, #tpu.memory_space<vmem>>, vector<1x16xf32>,
      %get3A_239 = arith.index_cast %scan3A_96 : i32 to index
      %get3A_240 = arith.constant 224 : index
      %get3A_241 = tpu.vector_load %arg9[%get3A_239, %get3A_240] {strides = array<i32>} : memref<64x768xf32, #tpu.memory_space<vmem>>, vector<1x16xf32>,
      %get3A_242 = vector.shape_cast %get3A_241 : vector<1x16xf32> to vector<16xf32>
      %mul3A_243 = arith.mulf %get3A_242, %get3A_99 : vector<16xf32>
      %swap3A_244 = arith.index_cast %scan3A_96 : i32 to index
      %swap3A_245 = arith.constant 224 : index
      %swap3A_246 = tpu.vector_load %arg9[%swap3A_244, %swap3A_245] {strides = array<i32>} : memref<64x768xf32, #tpu.memory_space<vmem>>, vector<1x16xf32>,
      %swap3A_247 = vector.shape_cast %swap3A_246 : vector<1x16xf32> to vector<16xf32>
      %swap3A_248 = vector.shape_cast %mul3A_243 : vector<16xf32> to vector<1x16xf32>
      tpu.vector_store %arg9[%swap3A_244, %swap3A_245], %swap3A_248 {strides = array<i32>} : memref<64x768xf32, #tpu.memory_space<vmem>>, vector<1x16xf32>,
      %get3A_249 = arith.index_cast %scan3A_96 : i32 to index
      %get3A_250 = arith.constant 240 : index
      %get3A_251 = tpu.vector_load %arg9[%get3A_249, %get3A_250] {strides = array<i32>} : memref<64x768xf32, #tpu.memory_space<vmem>>, vector<1x16xf32>,
      %get3A_252 = vector.shape_cast %get3A_251 : vector<1x16xf32> to vector<16xf32>
      %mul3A_253 = arith.mulf %get3A_252, %get3A_99 : vector<16xf32>
      %swap3A_254 = arith.index_cast %scan3A_96 : i32 to index
      %swap3A_255 = arith.constant 240 : index
      %swap3A_256 = tpu.vector_load %arg9[%swap3A_254, %swap3A_255] {strides = array<i32>} : memref<64x768xf32, #tpu.memory_space<vmem>>, vector<1x16xf32>,
      %swap3A_257 = vector.shape_cast %swap3A_256 : vector<1x16xf32> to vector<16xf32>
      %swap3A_258 = vector.shape_cast %mul3A_253 : vector<16xf32> to vector<1x16xf32>
      tpu.vector_store %arg9[%swap3A_254, %swap3A_255], %swap3A_258 {strides = array<i32>} : memref<64x768xf32, #tpu.memory_space<vmem>>, vector<1x16xf32>,
      %get3A_259 = arith.index_cast %scan3A_96 : i32 to index
      %get3A_260 = arith.constant 256 : index
      %get3A_261 = tpu.vector_load %arg9[%get3A_259, %get3A_260] {strides = array<i32>} : memref<64x768xf32, #tpu.memory_space<vmem>>, vector<1x16xf32>,
      %get3A_262 = vector.shape_cast %get3A_261 : vector<1x16xf32> to vector<16xf32>
      %mul3A_263 = arith.mulf %get3A_262, %get3A_99 : vector<16xf32>
      %swap3A_264 = arith.index_cast %scan3A_96 : i32 to index
      %swap3A_265 = arith.constant 256 : index
      %swap3A_266 = tpu.vector_load %arg9[%swap3A_264, %swap3A_265] {strides = array<i32>} : memref<64x768xf32, #tpu.memory_space<vmem>>, vector<1x16xf32>,
      %swap3A_267 = vector.shape_cast %swap3A_266 : vector<1x16xf32> to vector<16xf32>
      %swap3A_268 = vector.shape_cast %mul3A_263 : vector<16xf32> to vector<1x16xf32>
      tpu.vector_store %arg9[%swap3A_264, %swap3A_265], %swap3A_268 {strides = array<i32>} : memref<64x768xf32, #tpu.memory_space<vmem>>, vector<1x16xf32>,
      %get3A_269 = arith.index_cast %scan3A_96 : i32 to index
      %get3A_270 = arith.constant 272 : index
      %get3A_271 = tpu.vector_load %arg9[%get3A_269, %get3A_270] {strides = array<i32>} : memref<64x768xf32, #tpu.memory_space<vmem>>, vector<1x16xf32>,
      %get3A_272 = vector.shape_cast %get3A_271 : vector<1x16xf32> to vector<16xf32>
      %mul3A_273 = arith.mulf %get3A_272, %get3A_99 : vector<16xf32>
      %swap3A_274 = arith.index_cast %scan3A_96 : i32 to index
      %swap3A_275 = arith.constant 272 : index
      %swap3A_276 = tpu.vector_load %arg9[%swap3A_274, %swap3A_275] {strides = array<i32>} : memref<64x768xf32, #tpu.memory_space<vmem>>, vector<1x16xf32>,
      %swap3A_277 = vector.shape_cast %swap3A_276 : vector<1x16xf32> to vector<16xf32>
      %swap3A_278 = vector.shape_cast %mul3A_273 : vector<16xf32> to vector<1x16xf32>
      tpu.vector_store %arg9[%swap3A_274, %swap3A_275], %swap3A_278 {strides = array<i32>} : memref<64x768xf32, #tpu.memory_space<vmem>>, vector<1x16xf32>,
      %get3A_279 = arith.index_cast %scan3A_96 : i32 to index
      %get3A_280 = arith.constant 288 : index
      %get3A_281 = tpu.vector_load %arg9[%get3A_279, %get3A_280] {strides = array<i32>} : memref<64x768xf32, #tpu.memory_space<vmem>>, vector<1x16xf32>,
      %get3A_282 = vector.shape_cast %get3A_281 : vector<1x16xf32> to vector<16xf32>
      %mul3A_283 = arith.mulf %get3A_282, %get3A_99 : vector<16xf32>
      %swap3A_284 = arith.index_cast %scan3A_96 : i32 to index
      %swap3A_285 = arith.constant 288 : index
      %swap3A_286 = tpu.vector_load %arg9[%swap3A_284, %swap3A_285] {strides = array<i32>} : memref<64x768xf32, #tpu.memory_space<vmem>>, vector<1x16xf32>,
      %swap3A_287 = vector.shape_cast %swap3A_286 : vector<1x16xf32> to vector<16xf32>
      %swap3A_288 = vector.shape_cast %mul3A_283 : vector<16xf32> to vector<1x16xf32>
      tpu.vector_store %arg9[%swap3A_284, %swap3A_285], %swap3A_288 {strides = array<i32>} : memref<64x768xf32, #tpu.memory_space<vmem>>, vector<1x16xf32>,
      %get3A_289 = arith.index_cast %scan3A_96 : i32 to index
      %get3A_290 = arith.constant 304 : index
      %get3A_291 = tpu.vector_load %arg9[%get3A_289, %get3A_290] {strides = array<i32>} : memref<64x768xf32, #tpu.memory_space<vmem>>, vector<1x16xf32>,
      %get3A_292 = vector.shape_cast %get3A_291 : vector<1x16xf32> to vector<16xf32>
      %mul3A_293 = arith.mulf %get3A_292, %get3A_99 : vector<16xf32>
      %swap3A_294 = arith.index_cast %scan3A_96 : i32 to index
      %swap3A_295 = arith.constant 304 : index
      %swap3A_296 = tpu.vector_load %arg9[%swap3A_294, %swap3A_295] {strides = array<i32>} : memref<64x768xf32, #tpu.memory_space<vmem>>, vector<1x16xf32>,
      %swap3A_297 = vector.shape_cast %swap3A_296 : vector<1x16xf32> to vector<16xf32>
      %swap3A_298 = vector.shape_cast %mul3A_293 : vector<16xf32> to vector<1x16xf32>
      tpu.vector_store %arg9[%swap3A_294, %swap3A_295], %swap3A_298 {strides = array<i32>} : memref<64x768xf32, #tpu.memory_space<vmem>>, vector<1x16xf32>,
      %get3A_299 = arith.index_cast %scan3A_96 : i32 to index
      %get3A_300 = arith.constant 320 : index
      %get3A_301 = tpu.vector_load %arg9[%get3A_299, %get3A_300] {strides = array<i32>} : memref<64x768xf32, #tpu.memory_space<vmem>>, vector<1x16xf32>,
      %get3A_302 = vector.shape_cast %get3A_301 : vector<1x16xf32> to vector<16xf32>
      %mul3A_303 = arith.mulf %get3A_302, %get3A_99 : vector<16xf32>
      %swap3A_304 = arith.index_cast %scan3A_96 : i32 to index
      %swap3A_305 = arith.constant 320 : index
      %swap3A_306 = tpu.vector_load %arg9[%swap3A_304, %swap3A_305] {strides = array<i32>} : memref<64x768xf32, #tpu.memory_space<vmem>>, vector<1x16xf32>,
      %swap3A_307 = vector.shape_cast %swap3A_306 : vector<1x16xf32> to vector<16xf32>
      %swap3A_308 = vector.shape_cast %mul3A_303 : vector<16xf32> to vector<1x16xf32>
      tpu.vector_store %arg9[%swap3A_304, %swap3A_305], %swap3A_308 {strides = array<i32>} : memref<64x768xf32, #tpu.memory_space<vmem>>, vector<1x16xf32>,
      %get3A_309 = arith.index_cast %scan3A_96 : i32 to index
      %get3A_310 = arith.constant 336 : index
      %get3A_311 = tpu.vector_load %arg9[%get3A_309, %get3A_310] {strides = array<i32>} : memref<64x768xf32, #tpu.memory_space<vmem>>, vector<1x16xf32>,
      %get3A_312 = vector.shape_cast %get3A_311 : vector<1x16xf32> to vector<16xf32>
      %mul3A_313 = arith.mulf %get3A_312, %get3A_99 : vector<16xf32>
      %swap3A_314 = arith.index_cast %scan3A_96 : i32 to index
      %swap3A_315 = arith.constant 336 : index
      %swap3A_316 = tpu.vector_load %arg9[%swap3A_314, %swap3A_315] {strides = array<i32>} : memref<64x768xf32, #tpu.memory_space<vmem>>, vector<1x16xf32>,
      %swap3A_317 = vector.shape_cast %swap3A_316 : vector<1x16xf32> to vector<16xf32>
      %swap3A_318 = vector.shape_cast %mul3A_313 : vector<16xf32> to vector<1x16xf32>
      tpu.vector_store %arg9[%swap3A_314, %swap3A_315], %swap3A_318 {strides = array<i32>} : memref<64x768xf32, #tpu.memory_space<vmem>>, vector<1x16xf32>,
      %get3A_319 = arith.index_cast %scan3A_96 : i32 to index
      %get3A_320 = arith.constant 352 : index
      %get3A_321 = tpu.vector_load %arg9[%get3A_319, %get3A_320] {strides = array<i32>} : memref<64x768xf32, #tpu.memory_space<vmem>>, vector<1x16xf32>,
      %get3A_322 = vector.shape_cast %get3A_321 : vector<1x16xf32> to vector<16xf32>
      %mul3A_323 = arith.mulf %get3A_322, %get3A_99 : vector<16xf32>
      %swap3A_324 = arith.index_cast %scan3A_96 : i32 to index
      %swap3A_325 = arith.constant 352 : index
      %swap3A_326 = tpu.vector_load %arg9[%swap3A_324, %swap3A_325] {strides = array<i32>} : memref<64x768xf32, #tpu.memory_space<vmem>>, vector<1x16xf32>,
      %swap3A_327 = vector.shape_cast %swap3A_326 : vector<1x16xf32> to vector<16xf32>
      %swap3A_328 = vector.shape_cast %mul3A_323 : vector<16xf32> to vector<1x16xf32>
      tpu.vector_store %arg9[%swap3A_324, %swap3A_325], %swap3A_328 {strides = array<i32>} : memref<64x768xf32, #tpu.memory_space<vmem>>, vector<1x16xf32>,
      %get3A_329 = arith.index_cast %scan3A_96 : i32 to index
      %get3A_330 = arith.constant 368 : index
      %get3A_331 = tpu.vector_load %arg9[%get3A_329, %get3A_330] {strides = array<i32>} : memref<64x768xf32, #tpu.memory_space<vmem>>, vector<1x16xf32>,
      %get3A_332 = vector.shape_cast %get3A_331 : vector<1x16xf32> to vector<16xf32>
      %mul3A_333 = arith.mulf %get3A_332, %get3A_99 : vector<16xf32>
      %swap3A_334 = arith.index_cast %scan3A_96 : i32 to index
      %swap3A_335 = arith.constant 368 : index
      %swap3A_336 = tpu.vector_load %arg9[%swap3A_334, %swap3A_335] {strides = array<i32>} : memref<64x768xf32, #tpu.memory_space<vmem>>, vector<1x16xf32>,
      %swap3A_337 = vector.shape_cast %swap3A_336 : vector<1x16xf32> to vector<16xf32>
      %swap3A_338 = vector.shape_cast %mul3A_333 : vector<16xf32> to vector<1x16xf32>
      tpu.vector_store %arg9[%swap3A_334, %swap3A_335], %swap3A_338 {strides = array<i32>} : memref<64x768xf32, #tpu.memory_space<vmem>>, vector<1x16xf32>,
      %get3A_339 = arith.index_cast %scan3A_96 : i32 to index
      %get3A_340 = arith.constant 384 : index
      %get3A_341 = tpu.vector_load %arg9[%get3A_339, %get3A_340] {strides = array<i32>} : memref<64x768xf32, #tpu.memory_space<vmem>>, vector<1x16xf32>,
      %get3A_342 = vector.shape_cast %get3A_341 : vector<1x16xf32> to vector<16xf32>
      %mul3A_343 = arith.mulf %get3A_342, %get3A_99 : vector<16xf32>
      %swap3A_344 = arith.index_cast %scan3A_96 : i32 to index
      %swap3A_345 = arith.constant 384 : index
      %swap3A_346 = tpu.vector_load %arg9[%swap3A_344, %swap3A_345] {strides = array<i32>} : memref<64x768xf32, #tpu.memory_space<vmem>>, vector<1x16xf32>,
      %swap3A_347 = vector.shape_cast %swap3A_346 : vector<1x16xf32> to vector<16xf32>
      %swap3A_348 = vector.shape_cast %mul3A_343 : vector<16xf32> to vector<1x16xf32>
      tpu.vector_store %arg9[%swap3A_344, %swap3A_345], %swap3A_348 {strides = array<i32>} : memref<64x768xf32, #tpu.memory_space<vmem>>, vector<1x16xf32>,
      %get3A_349 = arith.index_cast %scan3A_96 : i32 to index
      %get3A_350 = arith.constant 400 : index
      %get3A_351 = tpu.vector_load %arg9[%get3A_349, %get3A_350] {strides = array<i32>} : memref<64x768xf32, #tpu.memory_space<vmem>>, vector<1x16xf32>,
      %get3A_352 = vector.shape_cast %get3A_351 : vector<1x16xf32> to vector<16xf32>
      %mul3A_353 = arith.mulf %get3A_352, %get3A_99 : vector<16xf32>
      %swap3A_354 = arith.index_cast %scan3A_96 : i32 to index
      %swap3A_355 = arith.constant 400 : index
      %swap3A_356 = tpu.vector_load %arg9[%swap3A_354, %swap3A_355] {strides = array<i32>} : memref<64x768xf32, #tpu.memory_space<vmem>>, vector<1x16xf32>,
      %swap3A_357 = vector.shape_cast %swap3A_356 : vector<1x16xf32> to vector<16xf32>
      %swap3A_358 = vector.shape_cast %mul3A_353 : vector<16xf32> to vector<1x16xf32>
      tpu.vector_store %arg9[%swap3A_354, %swap3A_355], %swap3A_358 {strides = array<i32>} : memref<64x768xf32, #tpu.memory_space<vmem>>, vector<1x16xf32>,
      %get3A_359 = arith.index_cast %scan3A_96 : i32 to index
      %get3A_360 = arith.constant 416 : index
      %get3A_361 = tpu.vector_load %arg9[%get3A_359, %get3A_360] {strides = array<i32>} : memref<64x768xf32, #tpu.memory_space<vmem>>, vector<1x16xf32>,
      %get3A_362 = vector.shape_cast %get3A_361 : vector<1x16xf32> to vector<16xf32>
      %mul3A_363 = arith.mulf %get3A_362, %get3A_99 : vector<16xf32>
      %swap3A_364 = arith.index_cast %scan3A_96 : i32 to index
      %swap3A_365 = arith.constant 416 : index
      %swap3A_366 = tpu.vector_load %arg9[%swap3A_364, %swap3A_365] {strides = array<i32>} : memref<64x768xf32, #tpu.memory_space<vmem>>, vector<1x16xf32>,
      %swap3A_367 = vector.shape_cast %swap3A_366 : vector<1x16xf32> to vector<16xf32>
      %swap3A_368 = vector.shape_cast %mul3A_363 : vector<16xf32> to vector<1x16xf32>
      tpu.vector_store %arg9[%swap3A_364, %swap3A_365], %swap3A_368 {strides = array<i32>} : memref<64x768xf32, #tpu.memory_space<vmem>>, vector<1x16xf32>,
      %get3A_369 = arith.index_cast %scan3A_96 : i32 to index
      %get3A_370 = arith.constant 432 : index
      %get3A_371 = tpu.vector_load %arg9[%get3A_369, %get3A_370] {strides = array<i32>} : memref<64x768xf32, #tpu.memory_space<vmem>>, vector<1x16xf32>,
      %get3A_372 = vector.shape_cast %get3A_371 : vector<1x16xf32> to vector<16xf32>
      %mul3A_373 = arith.mulf %get3A_372, %get3A_99 : vector<16xf32>
      %swap3A_374 = arith.index_cast %scan3A_96 : i32 to index
      %swap3A_375 = arith.constant 432 : index
      %swap3A_376 = tpu.vector_load %arg9[%swap3A_374, %swap3A_375] {strides = array<i32>} : memref<64x768xf32, #tpu.memory_space<vmem>>, vector<1x16xf32>,
      %swap3A_377 = vector.shape_cast %swap3A_376 : vector<1x16xf32> to vector<16xf32>
      %swap3A_378 = vector.shape_cast %mul3A_373 : vector<16xf32> to vector<1x16xf32>
      tpu.vector_store %arg9[%swap3A_374, %swap3A_375], %swap3A_378 {strides = array<i32>} : memref<64x768xf32, #tpu.memory_space<vmem>>, vector<1x16xf32>,
      %get3A_379 = arith.index_cast %scan3A_96 : i32 to index
      %get3A_380 = arith.constant 448 : index
      %get3A_381 = tpu.vector_load %arg9[%get3A_379, %get3A_380] {strides = array<i32>} : memref<64x768xf32, #tpu.memory_space<vmem>>, vector<1x16xf32>,
      %get3A_382 = vector.shape_cast %get3A_381 : vector<1x16xf32> to vector<16xf32>
      %mul3A_383 = arith.mulf %get3A_382, %get3A_99 : vector<16xf32>
      %swap3A_384 = arith.index_cast %scan3A_96 : i32 to index
      %swap3A_385 = arith.constant 448 : index
      %swap3A_386 = tpu.vector_load %arg9[%swap3A_384, %swap3A_385] {strides = array<i32>} : memref<64x768xf32, #tpu.memory_space<vmem>>, vector<1x16xf32>,
      %swap3A_387 = vector.shape_cast %swap3A_386 : vector<1x16xf32> to vector<16xf32>
      %swap3A_388 = vector.shape_cast %mul3A_383 : vector<16xf32> to vector<1x16xf32>
      tpu.vector_store %arg9[%swap3A_384, %swap3A_385], %swap3A_388 {strides = array<i32>} : memref<64x768xf32, #tpu.memory_space<vmem>>, vector<1x16xf32>,
      %get3A_389 = arith.index_cast %scan3A_96 : i32 to index
      %get3A_390 = arith.constant 464 : index
      %get3A_391 = tpu.vector_load %arg9[%get3A_389, %get3A_390] {strides = array<i32>} : memref<64x768xf32, #tpu.memory_space<vmem>>, vector<1x16xf32>,
      %get3A_392 = vector.shape_cast %get3A_391 : vector<1x16xf32> to vector<16xf32>
      %mul3A_393 = arith.mulf %get3A_392, %get3A_99 : vector<16xf32>
      %swap3A_394 = arith.index_cast %scan3A_96 : i32 to index
      %swap3A_395 = arith.constant 464 : index
      %swap3A_396 = tpu.vector_load %arg9[%swap3A_394, %swap3A_395] {strides = array<i32>} : memref<64x768xf32, #tpu.memory_space<vmem>>, vector<1x16xf32>,
      %swap3A_397 = vector.shape_cast %swap3A_396 : vector<1x16xf32> to vector<16xf32>
      %swap3A_398 = vector.shape_cast %mul3A_393 : vector<16xf32> to vector<1x16xf32>
      tpu.vector_store %arg9[%swap3A_394, %swap3A_395], %swap3A_398 {strides = array<i32>} : memref<64x768xf32, #tpu.memory_space<vmem>>, vector<1x16xf32>,
      %get3A_399 = arith.index_cast %scan3A_96 : i32 to index
      %get3A_400 = arith.constant 480 : index
      %get3A_401 = tpu.vector_load %arg9[%get3A_399, %get3A_400] {strides = array<i32>} : memref<64x768xf32, #tpu.memory_space<vmem>>, vector<1x16xf32>,
      %get3A_402 = vector.shape_cast %get3A_401 : vector<1x16xf32> to vector<16xf32>
      %mul3A_403 = arith.mulf %get3A_402, %get3A_99 : vector<16xf32>
      %swap3A_404 = arith.index_cast %scan3A_96 : i32 to index
      %swap3A_405 = arith.constant 480 : index
      %swap3A_406 = tpu.vector_load %arg9[%swap3A_404, %swap3A_405] {strides = array<i32>} : memref<64x768xf32, #tpu.memory_space<vmem>>, vector<1x16xf32>,
      %swap3A_407 = vector.shape_cast %swap3A_406 : vector<1x16xf32> to vector<16xf32>
      %swap3A_408 = vector.shape_cast %mul3A_403 : vector<16xf32> to vector<1x16xf32>
      tpu.vector_store %arg9[%swap3A_404, %swap3A_405], %swap3A_408 {strides = array<i32>} : memref<64x768xf32, #tpu.memory_space<vmem>>, vector<1x16xf32>,
      %get3A_409 = arith.index_cast %scan3A_96 : i32 to index
      %get3A_410 = arith.constant 496 : index
      %get3A_411 = tpu.vector_load %arg9[%get3A_409, %get3A_410] {strides = array<i32>} : memref<64x768xf32, #tpu.memory_space<vmem>>, vector<1x16xf32>,
      %get3A_412 = vector.shape_cast %get3A_411 : vector<1x16xf32> to vector<16xf32>
      %mul3A_413 = arith.mulf %get3A_412, %get3A_99 : vector<16xf32>
      %swap3A_414 = arith.index_cast %scan3A_96 : i32 to index
      %swap3A_415 = arith.constant 496 : index
      %swap3A_416 = tpu.vector_load %arg9[%swap3A_414, %swap3A_415] {strides = array<i32>} : memref<64x768xf32, #tpu.memory_space<vmem>>, vector<1x16xf32>,
      %swap3A_417 = vector.shape_cast %swap3A_416 : vector<1x16xf32> to vector<16xf32>
      %swap3A_418 = vector.shape_cast %mul3A_413 : vector<16xf32> to vector<1x16xf32>
      tpu.vector_store %arg9[%swap3A_414, %swap3A_415], %swap3A_418 {strides = array<i32>} : memref<64x768xf32, #tpu.memory_space<vmem>>, vector<1x16xf32>,
      %get3A_419 = arith.index_cast %scan3A_96 : i32 to index
      %get3A_420 = arith.constant 512 : index
      %get3A_421 = tpu.vector_load %arg9[%get3A_419, %get3A_420] {strides = array<i32>} : memref<64x768xf32, #tpu.memory_space<vmem>>, vector<1x16xf32>,
      %get3A_422 = vector.shape_cast %get3A_421 : vector<1x16xf32> to vector<16xf32>
      %mul3A_423 = arith.mulf %get3A_422, %get3A_99 : vector<16xf32>
      %swap3A_424 = arith.index_cast %scan3A_96 : i32 to index
      %swap3A_425 = arith.constant 512 : index
      %swap3A_426 = tpu.vector_load %arg9[%swap3A_424, %swap3A_425] {strides = array<i32>} : memref<64x768xf32, #tpu.memory_space<vmem>>, vector<1x16xf32>,
      %swap3A_427 = vector.shape_cast %swap3A_426 : vector<1x16xf32> to vector<16xf32>
      %swap3A_428 = vector.shape_cast %mul3A_423 : vector<16xf32> to vector<1x16xf32>
      tpu.vector_store %arg9[%swap3A_424, %swap3A_425], %swap3A_428 {strides = array<i32>} : memref<64x768xf32, #tpu.memory_space<vmem>>, vector<1x16xf32>,
      %get3A_429 = arith.index_cast %scan3A_96 : i32 to index
      %get3A_430 = arith.constant 528 : index
      %get3A_431 = tpu.vector_load %arg9[%get3A_429, %get3A_430] {strides = array<i32>} : memref<64x768xf32, #tpu.memory_space<vmem>>, vector<1x16xf32>,
      %get3A_432 = vector.shape_cast %get3A_431 : vector<1x16xf32> to vector<16xf32>
      %mul3A_433 = arith.mulf %get3A_432, %get3A_99 : vector<16xf32>
      %swap3A_434 = arith.index_cast %scan3A_96 : i32 to index
      %swap3A_435 = arith.constant 528 : index
      %swap3A_436 = tpu.vector_load %arg9[%swap3A_434, %swap3A_435] {strides = array<i32>} : memref<64x768xf32, #tpu.memory_space<vmem>>, vector<1x16xf32>,
      %swap3A_437 = vector.shape_cast %swap3A_436 : vector<1x16xf32> to vector<16xf32>
      %swap3A_438 = vector.shape_cast %mul3A_433 : vector<16xf32> to vector<1x16xf32>
      tpu.vector_store %arg9[%swap3A_434, %swap3A_435], %swap3A_438 {strides = array<i32>} : memref<64x768xf32, #tpu.memory_space<vmem>>, vector<1x16xf32>,
      %get3A_439 = arith.index_cast %scan3A_96 : i32 to index
      %get3A_440 = arith.constant 544 : index
      %get3A_441 = tpu.vector_load %arg9[%get3A_439, %get3A_440] {strides = array<i32>} : memref<64x768xf32, #tpu.memory_space<vmem>>, vector<1x16xf32>,
      %get3A_442 = vector.shape_cast %get3A_441 : vector<1x16xf32> to vector<16xf32>
      %mul3A_443 = arith.mulf %get3A_442, %get3A_99 : vector<16xf32>
      %swap3A_444 = arith.index_cast %scan3A_96 : i32 to index
      %swap3A_445 = arith.constant 544 : index
      %swap3A_446 = tpu.vector_load %arg9[%swap3A_444, %swap3A_445] {strides = array<i32>} : memref<64x768xf32, #tpu.memory_space<vmem>>, vector<1x16xf32>,
      %swap3A_447 = vector.shape_cast %swap3A_446 : vector<1x16xf32> to vector<16xf32>
      %swap3A_448 = vector.shape_cast %mul3A_443 : vector<16xf32> to vector<1x16xf32>
      tpu.vector_store %arg9[%swap3A_444, %swap3A_445], %swap3A_448 {strides = array<i32>} : memref<64x768xf32, #tpu.memory_space<vmem>>, vector<1x16xf32>,
      %get3A_449 = arith.index_cast %scan3A_96 : i32 to index
      %get3A_450 = arith.constant 560 : index
      %get3A_451 = tpu.vector_load %arg9[%get3A_449, %get3A_450] {strides = array<i32>} : memref<64x768xf32, #tpu.memory_space<vmem>>, vector<1x16xf32>,
      %get3A_452 = vector.shape_cast %get3A_451 : vector<1x16xf32> to vector<16xf32>
      %mul3A_453 = arith.mulf %get3A_452, %get3A_99 : vector<16xf32>
      %swap3A_454 = arith.index_cast %scan3A_96 : i32 to index
      %swap3A_455 = arith.constant 560 : index
      %swap3A_456 = tpu.vector_load %arg9[%swap3A_454, %swap3A_455] {strides = array<i32>} : memref<64x768xf32, #tpu.memory_space<vmem>>, vector<1x16xf32>,
      %swap3A_457 = vector.shape_cast %swap3A_456 : vector<1x16xf32> to vector<16xf32>
      %swap3A_458 = vector.shape_cast %mul3A_453 : vector<16xf32> to vector<1x16xf32>
      tpu.vector_store %arg9[%swap3A_454, %swap3A_455], %swap3A_458 {strides = array<i32>} : memref<64x768xf32, #tpu.memory_space<vmem>>, vector<1x16xf32>,
      %get3A_459 = arith.index_cast %scan3A_96 : i32 to index
      %get3A_460 = arith.constant 576 : index
      %get3A_461 = tpu.vector_load %arg9[%get3A_459, %get3A_460] {strides = array<i32>} : memref<64x768xf32, #tpu.memory_space<vmem>>, vector<1x16xf32>,
      %get3A_462 = vector.shape_cast %get3A_461 : vector<1x16xf32> to vector<16xf32>
      %mul3A_463 = arith.mulf %get3A_462, %get3A_99 : vector<16xf32>
      %swap3A_464 = arith.index_cast %scan3A_96 : i32 to index
      %swap3A_465 = arith.constant 576 : index
      %swap3A_466 = tpu.vector_load %arg9[%swap3A_464, %swap3A_465] {strides = array<i32>} : memref<64x768xf32, #tpu.memory_space<vmem>>, vector<1x16xf32>,
      %swap3A_467 = vector.shape_cast %swap3A_466 : vector<1x16xf32> to vector<16xf32>
      %swap3A_468 = vector.shape_cast %mul3A_463 : vector<16xf32> to vector<1x16xf32>
      tpu.vector_store %arg9[%swap3A_464, %swap3A_465], %swap3A_468 {strides = array<i32>} : memref<64x768xf32, #tpu.memory_space<vmem>>, vector<1x16xf32>,
      %get3A_469 = arith.index_cast %scan3A_96 : i32 to index
      %get3A_470 = arith.constant 592 : index
      %get3A_471 = tpu.vector_load %arg9[%get3A_469, %get3A_470] {strides = array<i32>} : memref<64x768xf32, #tpu.memory_space<vmem>>, vector<1x16xf32>,
      %get3A_472 = vector.shape_cast %get3A_471 : vector<1x16xf32> to vector<16xf32>
      %mul3A_473 = arith.mulf %get3A_472, %get3A_99 : vector<16xf32>
      %swap3A_474 = arith.index_cast %scan3A_96 : i32 to index
      %swap3A_475 = arith.constant 592 : index
      %swap3A_476 = tpu.vector_load %arg9[%swap3A_474, %swap3A_475] {strides = array<i32>} : memref<64x768xf32, #tpu.memory_space<vmem>>, vector<1x16xf32>,
      %swap3A_477 = vector.shape_cast %swap3A_476 : vector<1x16xf32> to vector<16xf32>
      %swap3A_478 = vector.shape_cast %mul3A_473 : vector<16xf32> to vector<1x16xf32>
      tpu.vector_store %arg9[%swap3A_474, %swap3A_475], %swap3A_478 {strides = array<i32>} : memref<64x768xf32, #tpu.memory_space<vmem>>, vector<1x16xf32>,
      %get3A_479 = arith.index_cast %scan3A_96 : i32 to index
      %get3A_480 = arith.constant 608 : index
      %get3A_481 = tpu.vector_load %arg9[%get3A_479, %get3A_480] {strides = array<i32>} : memref<64x768xf32, #tpu.memory_space<vmem>>, vector<1x16xf32>,
      %get3A_482 = vector.shape_cast %get3A_481 : vector<1x16xf32> to vector<16xf32>
      %mul3A_483 = arith.mulf %get3A_482, %get3A_99 : vector<16xf32>
      %swap3A_484 = arith.index_cast %scan3A_96 : i32 to index
      %swap3A_485 = arith.constant 608 : index
      %swap3A_486 = tpu.vector_load %arg9[%swap3A_484, %swap3A_485] {strides = array<i32>} : memref<64x768xf32, #tpu.memory_space<vmem>>, vector<1x16xf32>,
      %swap3A_487 = vector.shape_cast %swap3A_486 : vector<1x16xf32> to vector<16xf32>
      %swap3A_488 = vector.shape_cast %mul3A_483 : vector<16xf32> to vector<1x16xf32>
      tpu.vector_store %arg9[%swap3A_484, %swap3A_485], %swap3A_488 {strides = array<i32>} : memref<64x768xf32, #tpu.memory_space<vmem>>, vector<1x16xf32>,
      %get3A_489 = arith.index_cast %scan3A_96 : i32 to index
      %get3A_490 = arith.constant 624 : index
      %get3A_491 = tpu.vector_load %arg9[%get3A_489, %get3A_490] {strides = array<i32>} : memref<64x768xf32, #tpu.memory_space<vmem>>, vector<1x16xf32>,
      %get3A_492 = vector.shape_cast %get3A_491 : vector<1x16xf32> to vector<16xf32>
      %mul3A_493 = arith.mulf %get3A_492, %get3A_99 : vector<16xf32>
      %swap3A_494 = arith.index_cast %scan3A_96 : i32 to index
      %swap3A_495 = arith.constant 624 : index
      %swap3A_496 = tpu.vector_load %arg9[%swap3A_494, %swap3A_495] {strides = array<i32>} : memref<64x768xf32, #tpu.memory_space<vmem>>, vector<1x16xf32>,
      %swap3A_497 = vector.shape_cast %swap3A_496 : vector<1x16xf32> to vector<16xf32>
      %swap3A_498 = vector.shape_cast %mul3A_493 : vector<16xf32> to vector<1x16xf32>
      tpu.vector_store %arg9[%swap3A_494, %swap3A_495], %swap3A_498 {strides = array<i32>} : memref<64x768xf32, #tpu.memory_space<vmem>>, vector<1x16xf32>,
      %get3A_499 = arith.index_cast %scan3A_96 : i32 to index
      %get3A_500 = arith.constant 640 : index
      %get3A_501 = tpu.vector_load %arg9[%get3A_499, %get3A_500] {strides = array<i32>} : memref<64x768xf32, #tpu.memory_space<vmem>>, vector<1x16xf32>,
      %get3A_502 = vector.shape_cast %get3A_501 : vector<1x16xf32> to vector<16xf32>
      %mul3A_503 = arith.mulf %get3A_502, %get3A_99 : vector<16xf32>
      %swap3A_504 = arith.index_cast %scan3A_96 : i32 to index
      %swap3A_505 = arith.constant 640 : index
      %swap3A_506 = tpu.vector_load %arg9[%swap3A_504, %swap3A_505] {strides = array<i32>} : memref<64x768xf32, #tpu.memory_space<vmem>>, vector<1x16xf32>,
      %swap3A_507 = vector.shape_cast %swap3A_506 : vector<1x16xf32> to vector<16xf32>
      %swap3A_508 = vector.shape_cast %mul3A_503 : vector<16xf32> to vector<1x16xf32>
      tpu.vector_store %arg9[%swap3A_504, %swap3A_505], %swap3A_508 {strides = array<i32>} : memref<64x768xf32, #tpu.memory_space<vmem>>, vector<1x16xf32>,
      %get3A_509 = arith.index_cast %scan3A_96 : i32 to index
      %get3A_510 = arith.constant 656 : index
      %get3A_511 = tpu.vector_load %arg9[%get3A_509, %get3A_510] {strides = array<i32>} : memref<64x768xf32, #tpu.memory_space<vmem>>, vector<1x16xf32>,
      %get3A_512 = vector.shape_cast %get3A_511 : vector<1x16xf32> to vector<16xf32>
      %mul3A_513 = arith.mulf %get3A_512, %get3A_99 : vector<16xf32>
      %swap3A_514 = arith.index_cast %scan3A_96 : i32 to index
      %swap3A_515 = arith.constant 656 : index
      %swap3A_516 = tpu.vector_load %arg9[%swap3A_514, %swap3A_515] {strides = array<i32>} : memref<64x768xf32, #tpu.memory_space<vmem>>, vector<1x16xf32>,
      %swap3A_517 = vector.shape_cast %swap3A_516 : vector<1x16xf32> to vector<16xf32>
      %swap3A_518 = vector.shape_cast %mul3A_513 : vector<16xf32> to vector<1x16xf32>
      tpu.vector_store %arg9[%swap3A_514, %swap3A_515], %swap3A_518 {strides = array<i32>} : memref<64x768xf32, #tpu.memory_space<vmem>>, vector<1x16xf32>,
      %get3A_519 = arith.index_cast %scan3A_96 : i32 to index
      %get3A_520 = arith.constant 672 : index
      %get3A_521 = tpu.vector_load %arg9[%get3A_519, %get3A_520] {strides = array<i32>} : memref<64x768xf32, #tpu.memory_space<vmem>>, vector<1x16xf32>,
      %get3A_522 = vector.shape_cast %get3A_521 : vector<1x16xf32> to vector<16xf32>
      %mul3A_523 = arith.mulf %get3A_522, %get3A_99 : vector<16xf32>
      %swap3A_524 = arith.index_cast %scan3A_96 : i32 to index
      %swap3A_525 = arith.constant 672 : index
      %swap3A_526 = tpu.vector_load %arg9[%swap3A_524, %swap3A_525] {strides = array<i32>} : memref<64x768xf32, #tpu.memory_space<vmem>>, vector<1x16xf32>,
      %swap3A_527 = vector.shape_cast %swap3A_526 : vector<1x16xf32> to vector<16xf32>
      %swap3A_528 = vector.shape_cast %mul3A_523 : vector<16xf32> to vector<1x16xf32>
      tpu.vector_store %arg9[%swap3A_524, %swap3A_525], %swap3A_528 {strides = array<i32>} : memref<64x768xf32, #tpu.memory_space<vmem>>, vector<1x16xf32>,
      %get3A_529 = arith.index_cast %scan3A_96 : i32 to index
      %get3A_530 = arith.constant 688 : index
      %get3A_531 = tpu.vector_load %arg9[%get3A_529, %get3A_530] {strides = array<i32>} : memref<64x768xf32, #tpu.memory_space<vmem>>, vector<1x16xf32>,
      %get3A_532 = vector.shape_cast %get3A_531 : vector<1x16xf32> to vector<16xf32>
      %mul3A_533 = arith.mulf %get3A_532, %get3A_99 : vector<16xf32>
      %swap3A_534 = arith.index_cast %scan3A_96 : i32 to index
      %swap3A_535 = arith.constant 688 : index
      %swap3A_536 = tpu.vector_load %arg9[%swap3A_534, %swap3A_535] {strides = array<i32>} : memref<64x768xf32, #tpu.memory_space<vmem>>, vector<1x16xf32>,
      %swap3A_537 = vector.shape_cast %swap3A_536 : vector<1x16xf32> to vector<16xf32>
      %swap3A_538 = vector.shape_cast %mul3A_533 : vector<16xf32> to vector<1x16xf32>
      tpu.vector_store %arg9[%swap3A_534, %swap3A_535], %swap3A_538 {strides = array<i32>} : memref<64x768xf32, #tpu.memory_space<vmem>>, vector<1x16xf32>,
      %get3A_539 = arith.index_cast %scan3A_96 : i32 to index
      %get3A_540 = arith.constant 704 : index
      %get3A_541 = tpu.vector_load %arg9[%get3A_539, %get3A_540] {strides = array<i32>} : memref<64x768xf32, #tpu.memory_space<vmem>>, vector<1x16xf32>,
      %get3A_542 = vector.shape_cast %get3A_541 : vector<1x16xf32> to vector<16xf32>
      %mul3A_543 = arith.mulf %get3A_542, %get3A_99 : vector<16xf32>
      %swap3A_544 = arith.index_cast %scan3A_96 : i32 to index
      %swap3A_545 = arith.constant 704 : index
      %swap3A_546 = tpu.vector_load %arg9[%swap3A_544, %swap3A_545] {strides = array<i32>} : memref<64x768xf32, #tpu.memory_space<vmem>>, vector<1x16xf32>,
      %swap3A_547 = vector.shape_cast %swap3A_546 : vector<1x16xf32> to vector<16xf32>
      %swap3A_548 = vector.shape_cast %mul3A_543 : vector<16xf32> to vector<1x16xf32>
      tpu.vector_store %arg9[%swap3A_544, %swap3A_545], %swap3A_548 {strides = array<i32>} : memref<64x768xf32, #tpu.memory_space<vmem>>, vector<1x16xf32>,
      %get3A_549 = arith.index_cast %scan3A_96 : i32 to index
      %get3A_550 = arith.constant 720 : index
      %get3A_551 = tpu.vector_load %arg9[%get3A_549, %get3A_550] {strides = array<i32>} : memref<64x768xf32, #tpu.memory_space<vmem>>, vector<1x16xf32>,
      %get3A_552 = vector.shape_cast %get3A_551 : vector<1x16xf32> to vector<16xf32>
      %mul3A_553 = arith.mulf %get3A_552, %get3A_99 : vector<16xf32>
      %swap3A_554 = arith.index_cast %scan3A_96 : i32 to index
      %swap3A_555 = arith.constant 720 : index
      %swap3A_556 = tpu.vector_load %arg9[%swap3A_554, %swap3A_555] {strides = array<i32>} : memref<64x768xf32, #tpu.memory_space<vmem>>, vector<1x16xf32>,
      %swap3A_557 = vector.shape_cast %swap3A_556 : vector<1x16xf32> to vector<16xf32>
      %swap3A_558 = vector.shape_cast %mul3A_553 : vector<16xf32> to vector<1x16xf32>
      tpu.vector_store %arg9[%swap3A_554, %swap3A_555], %swap3A_558 {strides = array<i32>} : memref<64x768xf32, #tpu.memory_space<vmem>>, vector<1x16xf32>,
      %get3A_559 = arith.index_cast %scan3A_96 : i32 to index
      %get3A_560 = arith.constant 736 : index
      %get3A_561 = tpu.vector_load %arg9[%get3A_559, %get3A_560] {strides = array<i32>} : memref<64x768xf32, #tpu.memory_space<vmem>>, vector<1x16xf32>,
      %get3A_562 = vector.shape_cast %get3A_561 : vector<1x16xf32> to vector<16xf32>
      %mul3A_563 = arith.mulf %get3A_562, %get3A_99 : vector<16xf32>
      %swap3A_564 = arith.index_cast %scan3A_96 : i32 to index
      %swap3A_565 = arith.constant 736 : index
      %swap3A_566 = tpu.vector_load %arg9[%swap3A_564, %swap3A_565] {strides = array<i32>} : memref<64x768xf32, #tpu.memory_space<vmem>>, vector<1x16xf32>,
      %swap3A_567 = vector.shape_cast %swap3A_566 : vector<1x16xf32> to vector<16xf32>
      %swap3A_568 = vector.shape_cast %mul3A_563 : vector<16xf32> to vector<1x16xf32>
      tpu.vector_store %arg9[%swap3A_564, %swap3A_565], %swap3A_568 {strides = array<i32>} : memref<64x768xf32, #tpu.memory_space<vmem>>, vector<1x16xf32>,
      %get3A_569 = arith.index_cast %scan3A_96 : i32 to index
      %get3A_570 = arith.constant 752 : index
      %get3A_571 = tpu.vector_load %arg9[%get3A_569, %get3A_570] {strides = array<i32>} : memref<64x768xf32, #tpu.memory_space<vmem>>, vector<1x16xf32>,
      %get3A_572 = vector.shape_cast %get3A_571 : vector<1x16xf32> to vector<16xf32>
      %mul3A_573 = arith.mulf %get3A_572, %get3A_99 : vector<16xf32>
      %swap3A_574 = arith.index_cast %scan3A_96 : i32 to index
      %swap3A_575 = arith.constant 752 : index
      %swap3A_576 = tpu.vector_load %arg9[%swap3A_574, %swap3A_575] {strides = array<i32>} : memref<64x768xf32, #tpu.memory_space<vmem>>, vector<1x16xf32>,
      %swap3A_577 = vector.shape_cast %swap3A_576 : vector<1x16xf32> to vector<16xf32>
      %swap3A_578 = vector.shape_cast %mul3A_573 : vector<16xf32> to vector<1x16xf32>
      tpu.vector_store %arg9[%swap3A_574, %swap3A_575], %swap3A_578 {strides = array<i32>} : memref<64x768xf32, #tpu.memory_space<vmem>>, vector<1x16xf32>,
    }
    %scan3A_41 = arith.constant 32 : i32
    %dma_start3A_42 = arith.constant 0 : i32
    %dma_start3A_43 = arith.constant 0 : i32
    %dma_start3A_44 = tpu.memref_slice %arg9[%dma_start3A_42, %dma_start3A_43] : memref<64x768xf32, #tpu.memory_space<vmem>> -> memref<32x768xf32, #tpu.memory_space<vmem>>
    %dma_start3A_45 = arith.constant 0 : i32
    %dma_start3A_46 = tpu.memref_slice %arg5[%mul3A_2, %dma_start3A_45] : memref<2048x768xf32, #tpu.memory_space<hbm>> -> memref<32x768xf32, #tpu.memory_space<hbm>>
    %dma_start3A_47 = arith.constant 0 : i32
    %dma_start3A_48 = tpu.memref_slice %arg5[%mul3A_2, %dma_start3A_47] : memref<2048x768xf32, #tpu.memory_space<hbm>> -> memref<32x768xf32, #tpu.memory_space<hbm>>
    %dma_start3A_49 = arith.constant 0 : i32
    %dma_start3A_50 = arith.constant 0 : i32
    %dma_start3A_51 = tpu.memref_slice %arg9[%dma_start3A_49, %dma_start3A_50] : memref<64x768xf32, #tpu.memory_space<vmem>> -> memref<32x768xf32, #tpu.memory_space<vmem>>
    tpu.enqueue_dma source(%dma_start3A_51 : memref<32x768xf32, #tpu.memory_space<vmem>>) target(%dma_start3A_48 : memref<32x768xf32, #tpu.memory_space<hbm>>) target_semaphore(%arg10 : memref<!tpu.dma_semaphore, #tpu.memory_space<semaphore_mem>>)
    %dma_wait3A_52 = arith.constant 32 : i32
    %dma_wait3A_53 = arith.constant 0 : i32
    %dma_wait3A_54 = tpu.memref_slice %arg9[%dma_wait3A_52, %dma_wait3A_53] : memref<64x768xf32, #tpu.memory_space<vmem>> -> memref<32x768xf32, #tpu.memory_space<vmem>>
    %dma_wait3A_55 = arith.constant 0 : i32
    %dma_wait3A_56 = arith.constant 0 : i32
    %dma_wait3A_57 = tpu.memref_slice %arg2[%dma_wait3A_55, %dma_wait3A_56] : memref<4096x768xf32, #tpu.memory_space<hbm>> -> memref<4096x768xf32, #tpu.memory_space<hbm>>
    tpu.wait_indirect_dma semaphore(%arg11 : memref<!tpu.dma_semaphore, #tpu.memory_space<semaphore_mem>>) src(%dma_wait3A_57 : memref<4096x768xf32, #tpu.memory_space<hbm>>) dst(%dma_wait3A_54 : memref<32x768xf32, #tpu.memory_space<vmem>>)
    %scan3A_58 = arith.constant 0 : i32
    %scan3A_59 = arith.constant 32 : i32
    %scan3A_60 = arith.constant 32 : i32
    %scan3A_61 = arith.addi %scan3A_59, %scan3A_60 : i32
    %scan3A_62 = arith.constant 1 : i32
    scf.for %scan3A_96 = %scan3A_59 to %scan3A_61 step %scan3A_62  : i32 {
      %get3A = arith.index_cast %scan3A_96 : i32 to index
      %get3A_97 = arith.constant 0 : index
      %get3A_98 = tpu.vector_load %arg8[%get3A, %get3A_97] {strides = array<i32>} : memref<64x16xf32, #tpu.memory_space<vmem>>, vector<1x16xf32>,
      %get3A_99 = vector.shape_cast %get3A_98 : vector<1x16xf32> to vector<16xf32>
      %get3A_100 = arith.index_cast %scan3A_96 : i32 to index
      %get3A_101 = arith.constant 0 : index
      %get3A_102 = tpu.vector_load %arg9[%get3A_100, %get3A_101] {strides = array<i32>} : memref<64x768xf32, #tpu.memory_space<vmem>>, vector<1x16xf32>,
      %get3A_103 = vector.shape_cast %get3A_102 : vector<1x16xf32> to vector<16xf32>
      %mul3A_104 = arith.mulf %get3A_103, %get3A_99 : vector<16xf32>
      %swap3A = arith.index_cast %scan3A_96 : i32 to index
      %swap3A_105 = arith.constant 0 : index
      %swap3A_106 = tpu.vector_load %arg9[%swap3A, %swap3A_105] {strides = array<i32>} : memref<64x768xf32, #tpu.memory_space<vmem>>, vector<1x16xf32>,
      %swap3A_107 = vector.shape_cast %swap3A_106 : vector<1x16xf32> to vector<16xf32>
      %swap3A_108 = vector.shape_cast %mul3A_104 : vector<16xf32> to vector<1x16xf32>
      tpu.vector_store %arg9[%swap3A, %swap3A_105], %swap3A_108 {strides = array<i32>} : memref<64x768xf32, #tpu.memory_space<vmem>>, vector<1x16xf32>,
      %get3A_109 = arith.index_cast %scan3A_96 : i32 to index
      %get3A_110 = arith.constant 16 : index
      %get3A_111 = tpu.vector_load %arg9[%get3A_109, %get3A_110] {strides = array<i32>} : memref<64x768xf32, #tpu.memory_space<vmem>>, vector<1x16xf32>,
      %get3A_112 = vector.shape_cast %get3A_111 : vector<1x16xf32> to vector<16xf32>
      %mul3A_113 = arith.mulf %get3A_112, %get3A_99 : vector<16xf32>
      %swap3A_114 = arith.index_cast %scan3A_96 : i32 to index
      %swap3A_115 = arith.constant 16 : index
      %swap3A_116 = tpu.vector_load %arg9[%swap3A_114, %swap3A_115] {strides = array<i32>} : memref<64x768xf32, #tpu.memory_space<vmem>>, vector<1x16xf32>,
      %swap3A_117 = vector.shape_cast %swap3A_116 : vector<1x16xf32> to vector<16xf32>
      %swap3A_118 = vector.shape_cast %mul3A_113 : vector<16xf32> to vector<1x16xf32>
      tpu.vector_store %arg9[%swap3A_114, %swap3A_115], %swap3A_118 {strides = array<i32>} : memref<64x768xf32, #tpu.memory_space<vmem>>, vector<1x16xf32>,
      %get3A_119 = arith.index_cast %scan3A_96 : i32 to index
      %get3A_120 = arith.constant 32 : index
      %get3A_121 = tpu.vector_load %arg9[%get3A_119, %get3A_120] {strides = array<i32>} : memref<64x768xf32, #tpu.memory_space<vmem>>, vector<1x16xf32>,
      %get3A_122 = vector.shape_cast %get3A_121 : vector<1x16xf32> to vector<16xf32>
      %mul3A_123 = arith.mulf %get3A_122, %get3A_99 : vector<16xf32>
      %swap3A_124 = arith.index_cast %scan3A_96 : i32 to index
      %swap3A_125 = arith.constant 32 : index
      %swap3A_126 = tpu.vector_load %arg9[%swap3A_124, %swap3A_125] {strides = array<i32>} : memref<64x768xf32, #tpu.memory_space<vmem>>, vector<1x16xf32>,
      %swap3A_127 = vector.shape_cast %swap3A_126 : vector<1x16xf32> to vector<16xf32>
      %swap3A_128 = vector.shape_cast %mul3A_123 : vector<16xf32> to vector<1x16xf32>
      tpu.vector_store %arg9[%swap3A_124, %swap3A_125], %swap3A_128 {strides = array<i32>} : memref<64x768xf32, #tpu.memory_space<vmem>>, vector<1x16xf32>,
      %get3A_129 = arith.index_cast %scan3A_96 : i32 to index
      %get3A_130 = arith.constant 48 : index
      %get3A_131 = tpu.vector_load %arg9[%get3A_129, %get3A_130] {strides = array<i32>} : memref<64x768xf32, #tpu.memory_space<vmem>>, vector<1x16xf32>,
      %get3A_132 = vector.shape_cast %get3A_131 : vector<1x16xf32> to vector<16xf32>
      %mul3A_133 = arith.mulf %get3A_132, %get3A_99 : vector<16xf32>
      %swap3A_134 = arith.index_cast %scan3A_96 : i32 to index
      %swap3A_135 = arith.constant 48 : index
      %swap3A_136 = tpu.vector_load %arg9[%swap3A_134, %swap3A_135] {strides = array<i32>} : memref<64x768xf32, #tpu.memory_space<vmem>>, vector<1x16xf32>,
      %swap3A_137 = vector.shape_cast %swap3A_136 : vector<1x16xf32> to vector<16xf32>
      %swap3A_138 = vector.shape_cast %mul3A_133 : vector<16xf32> to vector<1x16xf32>
      tpu.vector_store %arg9[%swap3A_134, %swap3A_135], %swap3A_138 {strides = array<i32>} : memref<64x768xf32, #tpu.memory_space<vmem>>, vector<1x16xf32>,
      %get3A_139 = arith.index_cast %scan3A_96 : i32 to index
      %get3A_140 = arith.constant 64 : index
      %get3A_141 = tpu.vector_load %arg9[%get3A_139, %get3A_140] {strides = array<i32>} : memref<64x768xf32, #tpu.memory_space<vmem>>, vector<1x16xf32>,
      %get3A_142 = vector.shape_cast %get3A_141 : vector<1x16xf32> to vector<16xf32>
      %mul3A_143 = arith.mulf %get3A_142, %get3A_99 : vector<16xf32>
      %swap3A_144 = arith.index_cast %scan3A_96 : i32 to index
      %swap3A_145 = arith.constant 64 : index
      %swap3A_146 = tpu.vector_load %arg9[%swap3A_144, %swap3A_145] {strides = array<i32>} : memref<64x768xf32, #tpu.memory_space<vmem>>, vector<1x16xf32>,
      %swap3A_147 = vector.shape_cast %swap3A_146 : vector<1x16xf32> to vector<16xf32>
      %swap3A_148 = vector.shape_cast %mul3A_143 : vector<16xf32> to vector<1x16xf32>
      tpu.vector_store %arg9[%swap3A_144, %swap3A_145], %swap3A_148 {strides = array<i32>} : memref<64x768xf32, #tpu.memory_space<vmem>>, vector<1x16xf32>,
      %get3A_149 = arith.index_cast %scan3A_96 : i32 to index
      %get3A_150 = arith.constant 80 : index
      %get3A_151 = tpu.vector_load %arg9[%get3A_149, %get3A_150] {strides = array<i32>} : memref<64x768xf32, #tpu.memory_space<vmem>>, vector<1x16xf32>,
      %get3A_152 = vector.shape_cast %get3A_151 : vector<1x16xf32> to vector<16xf32>
      %mul3A_153 = arith.mulf %get3A_152, %get3A_99 : vector<16xf32>
      %swap3A_154 = arith.index_cast %scan3A_96 : i32 to index
      %swap3A_155 = arith.constant 80 : index
      %swap3A_156 = tpu.vector_load %arg9[%swap3A_154, %swap3A_155] {strides = array<i32>} : memref<64x768xf32, #tpu.memory_space<vmem>>, vector<1x16xf32>,
      %swap3A_157 = vector.shape_cast %swap3A_156 : vector<1x16xf32> to vector<16xf32>
      %swap3A_158 = vector.shape_cast %mul3A_153 : vector<16xf32> to vector<1x16xf32>
      tpu.vector_store %arg9[%swap3A_154, %swap3A_155], %swap3A_158 {strides = array<i32>} : memref<64x768xf32, #tpu.memory_space<vmem>>, vector<1x16xf32>,
      %get3A_159 = arith.index_cast %scan3A_96 : i32 to index
      %get3A_160 = arith.constant 96 : index
      %get3A_161 = tpu.vector_load %arg9[%get3A_159, %get3A_160] {strides = array<i32>} : memref<64x768xf32, #tpu.memory_space<vmem>>, vector<1x16xf32>,
      %get3A_162 = vector.shape_cast %get3A_161 : vector<1x16xf32> to vector<16xf32>
      %mul3A_163 = arith.mulf %get3A_162, %get3A_99 : vector<16xf32>
      %swap3A_164 = arith.index_cast %scan3A_96 : i32 to index
      %swap3A_165 = arith.constant 96 : index
      %swap3A_166 = tpu.vector_load %arg9[%swap3A_164, %swap3A_165] {strides = array<i32>} : memref<64x768xf32, #tpu.memory_space<vmem>>, vector<1x16xf32>,
      %swap3A_167 = vector.shape_cast %swap3A_166 : vector<1x16xf32> to vector<16xf32>
      %swap3A_168 = vector.shape_cast %mul3A_163 : vector<16xf32> to vector<1x16xf32>
      tpu.vector_store %arg9[%swap3A_164, %swap3A_165], %swap3A_168 {strides = array<i32>} : memref<64x768xf32, #tpu.memory_space<vmem>>, vector<1x16xf32>,
      %get3A_169 = arith.index_cast %scan3A_96 : i32 to index
      %get3A_170 = arith.constant 112 : index
      %get3A_171 = tpu.vector_load %arg9[%get3A_169, %get3A_170] {strides = array<i32>} : memref<64x768xf32, #tpu.memory_space<vmem>>, vector<1x16xf32>,
      %get3A_172 = vector.shape_cast %get3A_171 : vector<1x16xf32> to vector<16xf32>
      %mul3A_173 = arith.mulf %get3A_172, %get3A_99 : vector<16xf32>
      %swap3A_174 = arith.index_cast %scan3A_96 : i32 to index
      %swap3A_175 = arith.constant 112 : index
      %swap3A_176 = tpu.vector_load %arg9[%swap3A_174, %swap3A_175] {strides = array<i32>} : memref<64x768xf32, #tpu.memory_space<vmem>>, vector<1x16xf32>,
      %swap3A_177 = vector.shape_cast %swap3A_176 : vector<1x16xf32> to vector<16xf32>
      %swap3A_178 = vector.shape_cast %mul3A_173 : vector<16xf32> to vector<1x16xf32>
      tpu.vector_store %arg9[%swap3A_174, %swap3A_175], %swap3A_178 {strides = array<i32>} : memref<64x768xf32, #tpu.memory_space<vmem>>, vector<1x16xf32>,
      %get3A_179 = arith.index_cast %scan3A_96 : i32 to index
      %get3A_180 = arith.constant 128 : index
      %get3A_181 = tpu.vector_load %arg9[%get3A_179, %get3A_180] {strides = array<i32>} : memref<64x768xf32, #tpu.memory_space<vmem>>, vector<1x16xf32>,
      %get3A_182 = vector.shape_cast %get3A_181 : vector<1x16xf32> to vector<16xf32>
      %mul3A_183 = arith.mulf %get3A_182, %get3A_99 : vector<16xf32>
      %swap3A_184 = arith.index_cast %scan3A_96 : i32 to index
      %swap3A_185 = arith.constant 128 : index
      %swap3A_186 = tpu.vector_load %arg9[%swap3A_184, %swap3A_185] {strides = array<i32>} : memref<64x768xf32, #tpu.memory_space<vmem>>, vector<1x16xf32>,
      %swap3A_187 = vector.shape_cast %swap3A_186 : vector<1x16xf32> to vector<16xf32>
      %swap3A_188 = vector.shape_cast %mul3A_183 : vector<16xf32> to vector<1x16xf32>
      tpu.vector_store %arg9[%swap3A_184, %swap3A_185], %swap3A_188 {strides = array<i32>} : memref<64x768xf32, #tpu.memory_space<vmem>>, vector<1x16xf32>,
      %get3A_189 = arith.index_cast %scan3A_96 : i32 to index
      %get3A_190 = arith.constant 144 : index
      %get3A_191 = tpu.vector_load %arg9[%get3A_189, %get3A_190] {strides = array<i32>} : memref<64x768xf32, #tpu.memory_space<vmem>>, vector<1x16xf32>,
      %get3A_192 = vector.shape_cast %get3A_191 : vector<1x16xf32> to vector<16xf32>
      %mul3A_193 = arith.mulf %get3A_192, %get3A_99 : vector<16xf32>
      %swap3A_194 = arith.index_cast %scan3A_96 : i32 to index
      %swap3A_195 = arith.constant 144 : index
      %swap3A_196 = tpu.vector_load %arg9[%swap3A_194, %swap3A_195] {strides = array<i32>} : memref<64x768xf32, #tpu.memory_space<vmem>>, vector<1x16xf32>,
      %swap3A_197 = vector.shape_cast %swap3A_196 : vector<1x16xf32> to vector<16xf32>
      %swap3A_198 = vector.shape_cast %mul3A_193 : vector<16xf32> to vector<1x16xf32>
      tpu.vector_store %arg9[%swap3A_194, %swap3A_195], %swap3A_198 {strides = array<i32>} : memref<64x768xf32, #tpu.memory_space<vmem>>, vector<1x16xf32>,
      %get3A_199 = arith.index_cast %scan3A_96 : i32 to index
      %get3A_200 = arith.constant 160 : index
      %get3A_201 = tpu.vector_load %arg9[%get3A_199, %get3A_200] {strides = array<i32>} : memref<64x768xf32, #tpu.memory_space<vmem>>, vector<1x16xf32>,
      %get3A_202 = vector.shape_cast %get3A_201 : vector<1x16xf32> to vector<16xf32>
      %mul3A_203 = arith.mulf %get3A_202, %get3A_99 : vector<16xf32>
      %swap3A_204 = arith.index_cast %scan3A_96 : i32 to index
      %swap3A_205 = arith.constant 160 : index
      %swap3A_206 = tpu.vector_load %arg9[%swap3A_204, %swap3A_205] {strides = array<i32>} : memref<64x768xf32, #tpu.memory_space<vmem>>, vector<1x16xf32>,
      %swap3A_207 = vector.shape_cast %swap3A_206 : vector<1x16xf32> to vector<16xf32>
      %swap3A_208 = vector.shape_cast %mul3A_203 : vector<16xf32> to vector<1x16xf32>
      tpu.vector_store %arg9[%swap3A_204, %swap3A_205], %swap3A_208 {strides = array<i32>} : memref<64x768xf32, #tpu.memory_space<vmem>>, vector<1x16xf32>,
      %get3A_209 = arith.index_cast %scan3A_96 : i32 to index
      %get3A_210 = arith.constant 176 : index
      %get3A_211 = tpu.vector_load %arg9[%get3A_209, %get3A_210] {strides = array<i32>} : memref<64x768xf32, #tpu.memory_space<vmem>>, vector<1x16xf32>,
      %get3A_212 = vector.shape_cast %get3A_211 : vector<1x16xf32> to vector<16xf32>
      %mul3A_213 = arith.mulf %get3A_212, %get3A_99 : vector<16xf32>
      %swap3A_214 = arith.index_cast %scan3A_96 : i32 to index
      %swap3A_215 = arith.constant 176 : index
      %swap3A_216 = tpu.vector_load %arg9[%swap3A_214, %swap3A_215] {strides = array<i32>} : memref<64x768xf32, #tpu.memory_space<vmem>>, vector<1x16xf32>,
      %swap3A_217 = vector.shape_cast %swap3A_216 : vector<1x16xf32> to vector<16xf32>
      %swap3A_218 = vector.shape_cast %mul3A_213 : vector<16xf32> to vector<1x16xf32>
      tpu.vector_store %arg9[%swap3A_214, %swap3A_215], %swap3A_218 {strides = array<i32>} : memref<64x768xf32, #tpu.memory_space<vmem>>, vector<1x16xf32>,
      %get3A_219 = arith.index_cast %scan3A_96 : i32 to index
      %get3A_220 = arith.constant 192 : index
      %get3A_221 = tpu.vector_load %arg9[%get3A_219, %get3A_220] {strides = array<i32>} : memref<64x768xf32, #tpu.memory_space<vmem>>, vector<1x16xf32>,
      %get3A_222 = vector.shape_cast %get3A_221 : vector<1x16xf32> to vector<16xf32>
      %mul3A_223 = arith.mulf %get3A_222, %get3A_99 : vector<16xf32>
      %swap3A_224 = arith.index_cast %scan3A_96 : i32 to index
      %swap3A_225 = arith.constant 192 : index
      %swap3A_226 = tpu.vector_load %arg9[%swap3A_224, %swap3A_225] {strides = array<i32>} : memref<64x768xf32, #tpu.memory_space<vmem>>, vector<1x16xf32>,
      %swap3A_227 = vector.shape_cast %swap3A_226 : vector<1x16xf32> to vector<16xf32>
      %swap3A_228 = vector.shape_cast %mul3A_223 : vector<16xf32> to vector<1x16xf32>
      tpu.vector_store %arg9[%swap3A_224, %swap3A_225], %swap3A_228 {strides = array<i32>} : memref<64x768xf32, #tpu.memory_space<vmem>>, vector<1x16xf32>,
      %get3A_229 = arith.index_cast %scan3A_96 : i32 to index
      %get3A_230 = arith.constant 208 : index
      %get3A_231 = tpu.vector_load %arg9[%get3A_229, %get3A_230] {strides = array<i32>} : memref<64x768xf32, #tpu.memory_space<vmem>>, vector<1x16xf32>,
      %get3A_232 = vector.shape_cast %get3A_231 : vector<1x16xf32> to vector<16xf32>
      %mul3A_233 = arith.mulf %get3A_232, %get3A_99 : vector<16xf32>
      %swap3A_234 = arith.index_cast %scan3A_96 : i32 to index
      %swap3A_235 = arith.constant 208 : index
      %swap3A_236 = tpu.vector_load %arg9[%swap3A_234, %swap3A_235] {strides = array<i32>} : memref<64x768xf32, #tpu.memory_space<vmem>>, vector<1x16xf32>,
      %swap3A_237 = vector.shape_cast %swap3A_236 : vector<1x16xf32> to vector<16xf32>
      %swap3A_238 = vector.shape_cast %mul3A_233 : vector<16xf32> to vector<1x16xf32>
      tpu.vector_store %arg9[%swap3A_234, %swap3A_235], %swap3A_238 {strides = array<i32>} : memref<64x768xf32, #tpu.memory_space<vmem>>, vector<1x16xf32>,
      %get3A_239 = arith.index_cast %scan3A_96 : i32 to index
      %get3A_240 = arith.constant 224 : index
      %get3A_241 = tpu.vector_load %arg9[%get3A_239, %get3A_240] {strides = array<i32>} : memref<64x768xf32, #tpu.memory_space<vmem>>, vector<1x16xf32>,
      %get3A_242 = vector.shape_cast %get3A_241 : vector<1x16xf32> to vector<16xf32>
      %mul3A_243 = arith.mulf %get3A_242, %get3A_99 : vector<16xf32>
      %swap3A_244 = arith.index_cast %scan3A_96 : i32 to index
      %swap3A_245 = arith.constant 224 : index
      %swap3A_246 = tpu.vector_load %arg9[%swap3A_244, %swap3A_245] {strides = array<i32>} : memref<64x768xf32, #tpu.memory_space<vmem>>, vector<1x16xf32>,
      %swap3A_247 = vector.shape_cast %swap3A_246 : vector<1x16xf32> to vector<16xf32>
      %swap3A_248 = vector.shape_cast %mul3A_243 : vector<16xf32> to vector<1x16xf32>
      tpu.vector_store %arg9[%swap3A_244, %swap3A_245], %swap3A_248 {strides = array<i32>} : memref<64x768xf32, #tpu.memory_space<vmem>>, vector<1x16xf32>,
      %get3A_249 = arith.index_cast %scan3A_96 : i32 to index
      %get3A_250 = arith.constant 240 : index
      %get3A_251 = tpu.vector_load %arg9[%get3A_249, %get3A_250] {strides = array<i32>} : memref<64x768xf32, #tpu.memory_space<vmem>>, vector<1x16xf32>,
      %get3A_252 = vector.shape_cast %get3A_251 : vector<1x16xf32> to vector<16xf32>
      %mul3A_253 = arith.mulf %get3A_252, %get3A_99 : vector<16xf32>
      %swap3A_254 = arith.index_cast %scan3A_96 : i32 to index
      %swap3A_255 = arith.constant 240 : index
      %swap3A_256 = tpu.vector_load %arg9[%swap3A_254, %swap3A_255] {strides = array<i32>} : memref<64x768xf32, #tpu.memory_space<vmem>>, vector<1x16xf32>,
      %swap3A_257 = vector.shape_cast %swap3A_256 : vector<1x16xf32> to vector<16xf32>
      %swap3A_258 = vector.shape_cast %mul3A_253 : vector<16xf32> to vector<1x16xf32>
      tpu.vector_store %arg9[%swap3A_254, %swap3A_255], %swap3A_258 {strides = array<i32>} : memref<64x768xf32, #tpu.memory_space<vmem>>, vector<1x16xf32>,
      %get3A_259 = arith.index_cast %scan3A_96 : i32 to index
      %get3A_260 = arith.constant 256 : index
      %get3A_261 = tpu.vector_load %arg9[%get3A_259, %get3A_260] {strides = array<i32>} : memref<64x768xf32, #tpu.memory_space<vmem>>, vector<1x16xf32>,
      %get3A_262 = vector.shape_cast %get3A_261 : vector<1x16xf32> to vector<16xf32>
      %mul3A_263 = arith.mulf %get3A_262, %get3A_99 : vector<16xf32>
      %swap3A_264 = arith.index_cast %scan3A_96 : i32 to index
      %swap3A_265 = arith.constant 256 : index
      %swap3A_266 = tpu.vector_load %arg9[%swap3A_264, %swap3A_265] {strides = array<i32>} : memref<64x768xf32, #tpu.memory_space<vmem>>, vector<1x16xf32>,
      %swap3A_267 = vector.shape_cast %swap3A_266 : vector<1x16xf32> to vector<16xf32>
      %swap3A_268 = vector.shape_cast %mul3A_263 : vector<16xf32> to vector<1x16xf32>
      tpu.vector_store %arg9[%swap3A_264, %swap3A_265], %swap3A_268 {strides = array<i32>} : memref<64x768xf32, #tpu.memory_space<vmem>>, vector<1x16xf32>,
      %get3A_269 = arith.index_cast %scan3A_96 : i32 to index
      %get3A_270 = arith.constant 272 : index
      %get3A_271 = tpu.vector_load %arg9[%get3A_269, %get3A_270] {strides = array<i32>} : memref<64x768xf32, #tpu.memory_space<vmem>>, vector<1x16xf32>,
      %get3A_272 = vector.shape_cast %get3A_271 : vector<1x16xf32> to vector<16xf32>
      %mul3A_273 = arith.mulf %get3A_272, %get3A_99 : vector<16xf32>
      %swap3A_274 = arith.index_cast %scan3A_96 : i32 to index
      %swap3A_275 = arith.constant 272 : index
      %swap3A_276 = tpu.vector_load %arg9[%swap3A_274, %swap3A_275] {strides = array<i32>} : memref<64x768xf32, #tpu.memory_space<vmem>>, vector<1x16xf32>,
      %swap3A_277 = vector.shape_cast %swap3A_276 : vector<1x16xf32> to vector<16xf32>
      %swap3A_278 = vector.shape_cast %mul3A_273 : vector<16xf32> to vector<1x16xf32>
      tpu.vector_store %arg9[%swap3A_274, %swap3A_275], %swap3A_278 {strides = array<i32>} : memref<64x768xf32, #tpu.memory_space<vmem>>, vector<1x16xf32>,
      %get3A_279 = arith.index_cast %scan3A_96 : i32 to index
      %get3A_280 = arith.constant 288 : index
      %get3A_281 = tpu.vector_load %arg9[%get3A_279, %get3A_280] {strides = array<i32>} : memref<64x768xf32, #tpu.memory_space<vmem>>, vector<1x16xf32>,
      %get3A_282 = vector.shape_cast %get3A_281 : vector<1x16xf32> to vector<16xf32>
      %mul3A_283 = arith.mulf %get3A_282, %get3A_99 : vector<16xf32>
      %swap3A_284 = arith.index_cast %scan3A_96 : i32 to index
      %swap3A_285 = arith.constant 288 : index
      %swap3A_286 = tpu.vector_load %arg9[%swap3A_284, %swap3A_285] {strides = array<i32>} : memref<64x768xf32, #tpu.memory_space<vmem>>, vector<1x16xf32>,
      %swap3A_287 = vector.shape_cast %swap3A_286 : vector<1x16xf32> to vector<16xf32>
      %swap3A_288 = vector.shape_cast %mul3A_283 : vector<16xf32> to vector<1x16xf32>
      tpu.vector_store %arg9[%swap3A_284, %swap3A_285], %swap3A_288 {strides = array<i32>} : memref<64x768xf32, #tpu.memory_space<vmem>>, vector<1x16xf32>,
      %get3A_289 = arith.index_cast %scan3A_96 : i32 to index
      %get3A_290 = arith.constant 304 : index
      %get3A_291 = tpu.vector_load %arg9[%get3A_289, %get3A_290] {strides = array<i32>} : memref<64x768xf32, #tpu.memory_space<vmem>>, vector<1x16xf32>,
      %get3A_292 = vector.shape_cast %get3A_291 : vector<1x16xf32> to vector<16xf32>
      %mul3A_293 = arith.mulf %get3A_292, %get3A_99 : vector<16xf32>
      %swap3A_294 = arith.index_cast %scan3A_96 : i32 to index
      %swap3A_295 = arith.constant 304 : index
      %swap3A_296 = tpu.vector_load %arg9[%swap3A_294, %swap3A_295] {strides = array<i32>} : memref<64x768xf32, #tpu.memory_space<vmem>>, vector<1x16xf32>,
      %swap3A_297 = vector.shape_cast %swap3A_296 : vector<1x16xf32> to vector<16xf32>
      %swap3A_298 = vector.shape_cast %mul3A_293 : vector<16xf32> to vector<1x16xf32>
      tpu.vector_store %arg9[%swap3A_294, %swap3A_295], %swap3A_298 {strides = array<i32>} : memref<64x768xf32, #tpu.memory_space<vmem>>, vector<1x16xf32>,
      %get3A_299 = arith.index_cast %scan3A_96 : i32 to index
      %get3A_300 = arith.constant 320 : index
      %get3A_301 = tpu.vector_load %arg9[%get3A_299, %get3A_300] {strides = array<i32>} : memref<64x768xf32, #tpu.memory_space<vmem>>, vector<1x16xf32>,
      %get3A_302 = vector.shape_cast %get3A_301 : vector<1x16xf32> to vector<16xf32>
      %mul3A_303 = arith.mulf %get3A_302, %get3A_99 : vector<16xf32>
      %swap3A_304 = arith.index_cast %scan3A_96 : i32 to index
      %swap3A_305 = arith.constant 320 : index
      %swap3A_306 = tpu.vector_load %arg9[%swap3A_304, %swap3A_305] {strides = array<i32>} : memref<64x768xf32, #tpu.memory_space<vmem>>, vector<1x16xf32>,
      %swap3A_307 = vector.shape_cast %swap3A_306 : vector<1x16xf32> to vector<16xf32>
      %swap3A_308 = vector.shape_cast %mul3A_303 : vector<16xf32> to vector<1x16xf32>
      tpu.vector_store %arg9[%swap3A_304, %swap3A_305], %swap3A_308 {strides = array<i32>} : memref<64x768xf32, #tpu.memory_space<vmem>>, vector<1x16xf32>,
      %get3A_309 = arith.index_cast %scan3A_96 : i32 to index
      %get3A_310 = arith.constant 336 : index
      %get3A_311 = tpu.vector_load %arg9[%get3A_309, %get3A_310] {strides = array<i32>} : memref<64x768xf32, #tpu.memory_space<vmem>>, vector<1x16xf32>,
      %get3A_312 = vector.shape_cast %get3A_311 : vector<1x16xf32> to vector<16xf32>
      %mul3A_313 = arith.mulf %get3A_312, %get3A_99 : vector<16xf32>
      %swap3A_314 = arith.index_cast %scan3A_96 : i32 to index
      %swap3A_315 = arith.constant 336 : index
      %swap3A_316 = tpu.vector_load %arg9[%swap3A_314, %swap3A_315] {strides = array<i32>} : memref<64x768xf32, #tpu.memory_space<vmem>>, vector<1x16xf32>,
      %swap3A_317 = vector.shape_cast %swap3A_316 : vector<1x16xf32> to vector<16xf32>
      %swap3A_318 = vector.shape_cast %mul3A_313 : vector<16xf32> to vector<1x16xf32>
      tpu.vector_store %arg9[%swap3A_314, %swap3A_315], %swap3A_318 {strides = array<i32>} : memref<64x768xf32, #tpu.memory_space<vmem>>, vector<1x16xf32>,
      %get3A_319 = arith.index_cast %scan3A_96 : i32 to index
      %get3A_320 = arith.constant 352 : index
      %get3A_321 = tpu.vector_load %arg9[%get3A_319, %get3A_320] {strides = array<i32>} : memref<64x768xf32, #tpu.memory_space<vmem>>, vector<1x16xf32>,
      %get3A_322 = vector.shape_cast %get3A_321 : vector<1x16xf32> to vector<16xf32>
      %mul3A_323 = arith.mulf %get3A_322, %get3A_99 : vector<16xf32>
      %swap3A_324 = arith.index_cast %scan3A_96 : i32 to index
      %swap3A_325 = arith.constant 352 : index
      %swap3A_326 = tpu.vector_load %arg9[%swap3A_324, %swap3A_325] {strides = array<i32>} : memref<64x768xf32, #tpu.memory_space<vmem>>, vector<1x16xf32>,
      %swap3A_327 = vector.shape_cast %swap3A_326 : vector<1x16xf32> to vector<16xf32>
      %swap3A_328 = vector.shape_cast %mul3A_323 : vector<16xf32> to vector<1x16xf32>
      tpu.vector_store %arg9[%swap3A_324, %swap3A_325], %swap3A_328 {strides = array<i32>} : memref<64x768xf32, #tpu.memory_space<vmem>>, vector<1x16xf32>,
      %get3A_329 = arith.index_cast %scan3A_96 : i32 to index
      %get3A_330 = arith.constant 368 : index
      %get3A_331 = tpu.vector_load %arg9[%get3A_329, %get3A_330] {strides = array<i32>} : memref<64x768xf32, #tpu.memory_space<vmem>>, vector<1x16xf32>,
      %get3A_332 = vector.shape_cast %get3A_331 : vector<1x16xf32> to vector<16xf32>
      %mul3A_333 = arith.mulf %get3A_332, %get3A_99 : vector<16xf32>
      %swap3A_334 = arith.index_cast %scan3A_96 : i32 to index
      %swap3A_335 = arith.constant 368 : index
      %swap3A_336 = tpu.vector_load %arg9[%swap3A_334, %swap3A_335] {strides = array<i32>} : memref<64x768xf32, #tpu.memory_space<vmem>>, vector<1x16xf32>,
      %swap3A_337 = vector.shape_cast %swap3A_336 : vector<1x16xf32> to vector<16xf32>
      %swap3A_338 = vector.shape_cast %mul3A_333 : vector<16xf32> to vector<1x16xf32>
      tpu.vector_store %arg9[%swap3A_334, %swap3A_335], %swap3A_338 {strides = array<i32>} : memref<64x768xf32, #tpu.memory_space<vmem>>, vector<1x16xf32>,
      %get3A_339 = arith.index_cast %scan3A_96 : i32 to index
      %get3A_340 = arith.constant 384 : index
      %get3A_341 = tpu.vector_load %arg9[%get3A_339, %get3A_340] {strides = array<i32>} : memref<64x768xf32, #tpu.memory_space<vmem>>, vector<1x16xf32>,
      %get3A_342 = vector.shape_cast %get3A_341 : vector<1x16xf32> to vector<16xf32>
      %mul3A_343 = arith.mulf %get3A_342, %get3A_99 : vector<16xf32>
      %swap3A_344 = arith.index_cast %scan3A_96 : i32 to index
      %swap3A_345 = arith.constant 384 : index
      %swap3A_346 = tpu.vector_load %arg9[%swap3A_344, %swap3A_345] {strides = array<i32>} : memref<64x768xf32, #tpu.memory_space<vmem>>, vector<1x16xf32>,
      %swap3A_347 = vector.shape_cast %swap3A_346 : vector<1x16xf32> to vector<16xf32>
      %swap3A_348 = vector.shape_cast %mul3A_343 : vector<16xf32> to vector<1x16xf32>
      tpu.vector_store %arg9[%swap3A_344, %swap3A_345], %swap3A_348 {strides = array<i32>} : memref<64x768xf32, #tpu.memory_space<vmem>>, vector<1x16xf32>,
      %get3A_349 = arith.index_cast %scan3A_96 : i32 to index
      %get3A_350 = arith.constant 400 : index
      %get3A_351 = tpu.vector_load %arg9[%get3A_349, %get3A_350] {strides = array<i32>} : memref<64x768xf32, #tpu.memory_space<vmem>>, vector<1x16xf32>,
      %get3A_352 = vector.shape_cast %get3A_351 : vector<1x16xf32> to vector<16xf32>
      %mul3A_353 = arith.mulf %get3A_352, %get3A_99 : vector<16xf32>
      %swap3A_354 = arith.index_cast %scan3A_96 : i32 to index
      %swap3A_355 = arith.constant 400 : index
      %swap3A_356 = tpu.vector_load %arg9[%swap3A_354, %swap3A_355] {strides = array<i32>} : memref<64x768xf32, #tpu.memory_space<vmem>>, vector<1x16xf32>,
      %swap3A_357 = vector.shape_cast %swap3A_356 : vector<1x16xf32> to vector<16xf32>
      %swap3A_358 = vector.shape_cast %mul3A_353 : vector<16xf32> to vector<1x16xf32>
      tpu.vector_store %arg9[%swap3A_354, %swap3A_355], %swap3A_358 {strides = array<i32>} : memref<64x768xf32, #tpu.memory_space<vmem>>, vector<1x16xf32>,
      %get3A_359 = arith.index_cast %scan3A_96 : i32 to index
      %get3A_360 = arith.constant 416 : index
      %get3A_361 = tpu.vector_load %arg9[%get3A_359, %get3A_360] {strides = array<i32>} : memref<64x768xf32, #tpu.memory_space<vmem>>, vector<1x16xf32>,
      %get3A_362 = vector.shape_cast %get3A_361 : vector<1x16xf32> to vector<16xf32>
      %mul3A_363 = arith.mulf %get3A_362, %get3A_99 : vector<16xf32>
      %swap3A_364 = arith.index_cast %scan3A_96 : i32 to index
      %swap3A_365 = arith.constant 416 : index
      %swap3A_366 = tpu.vector_load %arg9[%swap3A_364, %swap3A_365] {strides = array<i32>} : memref<64x768xf32, #tpu.memory_space<vmem>>, vector<1x16xf32>,
      %swap3A_367 = vector.shape_cast %swap3A_366 : vector<1x16xf32> to vector<16xf32>
      %swap3A_368 = vector.shape_cast %mul3A_363 : vector<16xf32> to vector<1x16xf32>
      tpu.vector_store %arg9[%swap3A_364, %swap3A_365], %swap3A_368 {strides = array<i32>} : memref<64x768xf32, #tpu.memory_space<vmem>>, vector<1x16xf32>,
      %get3A_369 = arith.index_cast %scan3A_96 : i32 to index
      %get3A_370 = arith.constant 432 : index
      %get3A_371 = tpu.vector_load %arg9[%get3A_369, %get3A_370] {strides = array<i32>} : memref<64x768xf32, #tpu.memory_space<vmem>>, vector<1x16xf32>,
      %get3A_372 = vector.shape_cast %get3A_371 : vector<1x16xf32> to vector<16xf32>
      %mul3A_373 = arith.mulf %get3A_372, %get3A_99 : vector<16xf32>
      %swap3A_374 = arith.index_cast %scan3A_96 : i32 to index
      %swap3A_375 = arith.constant 432 : index
      %swap3A_376 = tpu.vector_load %arg9[%swap3A_374, %swap3A_375] {strides = array<i32>} : memref<64x768xf32, #tpu.memory_space<vmem>>, vector<1x16xf32>,
      %swap3A_377 = vector.shape_cast %swap3A_376 : vector<1x16xf32> to vector<16xf32>
      %swap3A_378 = vector.shape_cast %mul3A_373 : vector<16xf32> to vector<1x16xf32>
      tpu.vector_store %arg9[%swap3A_374, %swap3A_375], %swap3A_378 {strides = array<i32>} : memref<64x768xf32, #tpu.memory_space<vmem>>, vector<1x16xf32>,
      %get3A_379 = arith.index_cast %scan3A_96 : i32 to index
      %get3A_380 = arith.constant 448 : index
      %get3A_381 = tpu.vector_load %arg9[%get3A_379, %get3A_380] {strides = array<i32>} : memref<64x768xf32, #tpu.memory_space<vmem>>, vector<1x16xf32>,
      %get3A_382 = vector.shape_cast %get3A_381 : vector<1x16xf32> to vector<16xf32>
      %mul3A_383 = arith.mulf %get3A_382, %get3A_99 : vector<16xf32>
      %swap3A_384 = arith.index_cast %scan3A_96 : i32 to index
      %swap3A_385 = arith.constant 448 : index
      %swap3A_386 = tpu.vector_load %arg9[%swap3A_384, %swap3A_385] {strides = array<i32>} : memref<64x768xf32, #tpu.memory_space<vmem>>, vector<1x16xf32>,
      %swap3A_387 = vector.shape_cast %swap3A_386 : vector<1x16xf32> to vector<16xf32>
      %swap3A_388 = vector.shape_cast %mul3A_383 : vector<16xf32> to vector<1x16xf32>
      tpu.vector_store %arg9[%swap3A_384, %swap3A_385], %swap3A_388 {strides = array<i32>} : memref<64x768xf32, #tpu.memory_space<vmem>>, vector<1x16xf32>,
      %get3A_389 = arith.index_cast %scan3A_96 : i32 to index
      %get3A_390 = arith.constant 464 : index
      %get3A_391 = tpu.vector_load %arg9[%get3A_389, %get3A_390] {strides = array<i32>} : memref<64x768xf32, #tpu.memory_space<vmem>>, vector<1x16xf32>,
      %get3A_392 = vector.shape_cast %get3A_391 : vector<1x16xf32> to vector<16xf32>
      %mul3A_393 = arith.mulf %get3A_392, %get3A_99 : vector<16xf32>
      %swap3A_394 = arith.index_cast %scan3A_96 : i32 to index
      %swap3A_395 = arith.constant 464 : index
      %swap3A_396 = tpu.vector_load %arg9[%swap3A_394, %swap3A_395] {strides = array<i32>} : memref<64x768xf32, #tpu.memory_space<vmem>>, vector<1x16xf32>,
      %swap3A_397 = vector.shape_cast %swap3A_396 : vector<1x16xf32> to vector<16xf32>
      %swap3A_398 = vector.shape_cast %mul3A_393 : vector<16xf32> to vector<1x16xf32>
      tpu.vector_store %arg9[%swap3A_394, %swap3A_395], %swap3A_398 {strides = array<i32>} : memref<64x768xf32, #tpu.memory_space<vmem>>, vector<1x16xf32>,
      %get3A_399 = arith.index_cast %scan3A_96 : i32 to index
      %get3A_400 = arith.constant 480 : index
      %get3A_401 = tpu.vector_load %arg9[%get3A_399, %get3A_400] {strides = array<i32>} : memref<64x768xf32, #tpu.memory_space<vmem>>, vector<1x16xf32>,
      %get3A_402 = vector.shape_cast %get3A_401 : vector<1x16xf32> to vector<16xf32>
      %mul3A_403 = arith.mulf %get3A_402, %get3A_99 : vector<16xf32>
      %swap3A_404 = arith.index_cast %scan3A_96 : i32 to index
      %swap3A_405 = arith.constant 480 : index
      %swap3A_406 = tpu.vector_load %arg9[%swap3A_404, %swap3A_405] {strides = array<i32>} : memref<64x768xf32, #tpu.memory_space<vmem>>, vector<1x16xf32>,
      %swap3A_407 = vector.shape_cast %swap3A_406 : vector<1x16xf32> to vector<16xf32>
      %swap3A_408 = vector.shape_cast %mul3A_403 : vector<16xf32> to vector<1x16xf32>
      tpu.vector_store %arg9[%swap3A_404, %swap3A_405], %swap3A_408 {strides = array<i32>} : memref<64x768xf32, #tpu.memory_space<vmem>>, vector<1x16xf32>,
      %get3A_409 = arith.index_cast %scan3A_96 : i32 to index
      %get3A_410 = arith.constant 496 : index
      %get3A_411 = tpu.vector_load %arg9[%get3A_409, %get3A_410] {strides = array<i32>} : memref<64x768xf32, #tpu.memory_space<vmem>>, vector<1x16xf32>,
      %get3A_412 = vector.shape_cast %get3A_411 : vector<1x16xf32> to vector<16xf32>
      %mul3A_413 = arith.mulf %get3A_412, %get3A_99 : vector<16xf32>
      %swap3A_414 = arith.index_cast %scan3A_96 : i32 to index
      %swap3A_415 = arith.constant 496 : index
      %swap3A_416 = tpu.vector_load %arg9[%swap3A_414, %swap3A_415] {strides = array<i32>} : memref<64x768xf32, #tpu.memory_space<vmem>>, vector<1x16xf32>,
      %swap3A_417 = vector.shape_cast %swap3A_416 : vector<1x16xf32> to vector<16xf32>
      %swap3A_418 = vector.shape_cast %mul3A_413 : vector<16xf32> to vector<1x16xf32>
      tpu.vector_store %arg9[%swap3A_414, %swap3A_415], %swap3A_418 {strides = array<i32>} : memref<64x768xf32, #tpu.memory_space<vmem>>, vector<1x16xf32>,
      %get3A_419 = arith.index_cast %scan3A_96 : i32 to index
      %get3A_420 = arith.constant 512 : index
      %get3A_421 = tpu.vector_load %arg9[%get3A_419, %get3A_420] {strides = array<i32>} : memref<64x768xf32, #tpu.memory_space<vmem>>, vector<1x16xf32>,
      %get3A_422 = vector.shape_cast %get3A_421 : vector<1x16xf32> to vector<16xf32>
      %mul3A_423 = arith.mulf %get3A_422, %get3A_99 : vector<16xf32>
      %swap3A_424 = arith.index_cast %scan3A_96 : i32 to index
      %swap3A_425 = arith.constant 512 : index
      %swap3A_426 = tpu.vector_load %arg9[%swap3A_424, %swap3A_425] {strides = array<i32>} : memref<64x768xf32, #tpu.memory_space<vmem>>, vector<1x16xf32>,
      %swap3A_427 = vector.shape_cast %swap3A_426 : vector<1x16xf32> to vector<16xf32>
      %swap3A_428 = vector.shape_cast %mul3A_423 : vector<16xf32> to vector<1x16xf32>
      tpu.vector_store %arg9[%swap3A_424, %swap3A_425], %swap3A_428 {strides = array<i32>} : memref<64x768xf32, #tpu.memory_space<vmem>>, vector<1x16xf32>,
      %get3A_429 = arith.index_cast %scan3A_96 : i32 to index
      %get3A_430 = arith.constant 528 : index
      %get3A_431 = tpu.vector_load %arg9[%get3A_429, %get3A_430] {strides = array<i32>} : memref<64x768xf32, #tpu.memory_space<vmem>>, vector<1x16xf32>,
      %get3A_432 = vector.shape_cast %get3A_431 : vector<1x16xf32> to vector<16xf32>
      %mul3A_433 = arith.mulf %get3A_432, %get3A_99 : vector<16xf32>
      %swap3A_434 = arith.index_cast %scan3A_96 : i32 to index
      %swap3A_435 = arith.constant 528 : index
      %swap3A_436 = tpu.vector_load %arg9[%swap3A_434, %swap3A_435] {strides = array<i32>} : memref<64x768xf32, #tpu.memory_space<vmem>>, vector<1x16xf32>,
      %swap3A_437 = vector.shape_cast %swap3A_436 : vector<1x16xf32> to vector<16xf32>
      %swap3A_438 = vector.shape_cast %mul3A_433 : vector<16xf32> to vector<1x16xf32>
      tpu.vector_store %arg9[%swap3A_434, %swap3A_435], %swap3A_438 {strides = array<i32>} : memref<64x768xf32, #tpu.memory_space<vmem>>, vector<1x16xf32>,
      %get3A_439 = arith.index_cast %scan3A_96 : i32 to index
      %get3A_440 = arith.constant 544 : index
      %get3A_441 = tpu.vector_load %arg9[%get3A_439, %get3A_440] {strides = array<i32>} : memref<64x768xf32, #tpu.memory_space<vmem>>, vector<1x16xf32>,
      %get3A_442 = vector.shape_cast %get3A_441 : vector<1x16xf32> to vector<16xf32>
      %mul3A_443 = arith.mulf %get3A_442, %get3A_99 : vector<16xf32>
      %swap3A_444 = arith.index_cast %scan3A_96 : i32 to index
      %swap3A_445 = arith.constant 544 : index
      %swap3A_446 = tpu.vector_load %arg9[%swap3A_444, %swap3A_445] {strides = array<i32>} : memref<64x768xf32, #tpu.memory_space<vmem>>, vector<1x16xf32>,
      %swap3A_447 = vector.shape_cast %swap3A_446 : vector<1x16xf32> to vector<16xf32>
      %swap3A_448 = vector.shape_cast %mul3A_443 : vector<16xf32> to vector<1x16xf32>
      tpu.vector_store %arg9[%swap3A_444, %swap3A_445], %swap3A_448 {strides = array<i32>} : memref<64x768xf32, #tpu.memory_space<vmem>>, vector<1x16xf32>,
      %get3A_449 = arith.index_cast %scan3A_96 : i32 to index
      %get3A_450 = arith.constant 560 : index
      %get3A_451 = tpu.vector_load %arg9[%get3A_449, %get3A_450] {strides = array<i32>} : memref<64x768xf32, #tpu.memory_space<vmem>>, vector<1x16xf32>,
      %get3A_452 = vector.shape_cast %get3A_451 : vector<1x16xf32> to vector<16xf32>
      %mul3A_453 = arith.mulf %get3A_452, %get3A_99 : vector<16xf32>
      %swap3A_454 = arith.index_cast %scan3A_96 : i32 to index
      %swap3A_455 = arith.constant 560 : index
      %swap3A_456 = tpu.vector_load %arg9[%swap3A_454, %swap3A_455] {strides = array<i32>} : memref<64x768xf32, #tpu.memory_space<vmem>>, vector<1x16xf32>,
      %swap3A_457 = vector.shape_cast %swap3A_456 : vector<1x16xf32> to vector<16xf32>
      %swap3A_458 = vector.shape_cast %mul3A_453 : vector<16xf32> to vector<1x16xf32>
      tpu.vector_store %arg9[%swap3A_454, %swap3A_455], %swap3A_458 {strides = array<i32>} : memref<64x768xf32, #tpu.memory_space<vmem>>, vector<1x16xf32>,
      %get3A_459 = arith.index_cast %scan3A_96 : i32 to index
      %get3A_460 = arith.constant 576 : index
      %get3A_461 = tpu.vector_load %arg9[%get3A_459, %get3A_460] {strides = array<i32>} : memref<64x768xf32, #tpu.memory_space<vmem>>, vector<1x16xf32>,
      %get3A_462 = vector.shape_cast %get3A_461 : vector<1x16xf32> to vector<16xf32>
      %mul3A_463 = arith.mulf %get3A_462, %get3A_99 : vector<16xf32>
      %swap3A_464 = arith.index_cast %scan3A_96 : i32 to index
      %swap3A_465 = arith.constant 576 : index
      %swap3A_466 = tpu.vector_load %arg9[%swap3A_464, %swap3A_465] {strides = array<i32>} : memref<64x768xf32, #tpu.memory_space<vmem>>, vector<1x16xf32>,
      %swap3A_467 = vector.shape_cast %swap3A_466 : vector<1x16xf32> to vector<16xf32>
      %swap3A_468 = vector.shape_cast %mul3A_463 : vector<16xf32> to vector<1x16xf32>
      tpu.vector_store %arg9[%swap3A_464, %swap3A_465], %swap3A_468 {strides = array<i32>} : memref<64x768xf32, #tpu.memory_space<vmem>>, vector<1x16xf32>,
      %get3A_469 = arith.index_cast %scan3A_96 : i32 to index
      %get3A_470 = arith.constant 592 : index
      %get3A_471 = tpu.vector_load %arg9[%get3A_469, %get3A_470] {strides = array<i32>} : memref<64x768xf32, #tpu.memory_space<vmem>>, vector<1x16xf32>,
      %get3A_472 = vector.shape_cast %get3A_471 : vector<1x16xf32> to vector<16xf32>
      %mul3A_473 = arith.mulf %get3A_472, %get3A_99 : vector<16xf32>
      %swap3A_474 = arith.index_cast %scan3A_96 : i32 to index
      %swap3A_475 = arith.constant 592 : index
      %swap3A_476 = tpu.vector_load %arg9[%swap3A_474, %swap3A_475] {strides = array<i32>} : memref<64x768xf32, #tpu.memory_space<vmem>>, vector<1x16xf32>,
      %swap3A_477 = vector.shape_cast %swap3A_476 : vector<1x16xf32> to vector<16xf32>
      %swap3A_478 = vector.shape_cast %mul3A_473 : vector<16xf32> to vector<1x16xf32>
      tpu.vector_store %arg9[%swap3A_474, %swap3A_475], %swap3A_478 {strides = array<i32>} : memref<64x768xf32, #tpu.memory_space<vmem>>, vector<1x16xf32>,
      %get3A_479 = arith.index_cast %scan3A_96 : i32 to index
      %get3A_480 = arith.constant 608 : index
      %get3A_481 = tpu.vector_load %arg9[%get3A_479, %get3A_480] {strides = array<i32>} : memref<64x768xf32, #tpu.memory_space<vmem>>, vector<1x16xf32>,
      %get3A_482 = vector.shape_cast %get3A_481 : vector<1x16xf32> to vector<16xf32>
      %mul3A_483 = arith.mulf %get3A_482, %get3A_99 : vector<16xf32>
      %swap3A_484 = arith.index_cast %scan3A_96 : i32 to index
      %swap3A_485 = arith.constant 608 : index
      %swap3A_486 = tpu.vector_load %arg9[%swap3A_484, %swap3A_485] {strides = array<i32>} : memref<64x768xf32, #tpu.memory_space<vmem>>, vector<1x16xf32>,
      %swap3A_487 = vector.shape_cast %swap3A_486 : vector<1x16xf32> to vector<16xf32>
      %swap3A_488 = vector.shape_cast %mul3A_483 : vector<16xf32> to vector<1x16xf32>
      tpu.vector_store %arg9[%swap3A_484, %swap3A_485], %swap3A_488 {strides = array<i32>} : memref<64x768xf32, #tpu.memory_space<vmem>>, vector<1x16xf32>,
      %get3A_489 = arith.index_cast %scan3A_96 : i32 to index
      %get3A_490 = arith.constant 624 : index
      %get3A_491 = tpu.vector_load %arg9[%get3A_489, %get3A_490] {strides = array<i32>} : memref<64x768xf32, #tpu.memory_space<vmem>>, vector<1x16xf32>,
      %get3A_492 = vector.shape_cast %get3A_491 : vector<1x16xf32> to vector<16xf32>
      %mul3A_493 = arith.mulf %get3A_492, %get3A_99 : vector<16xf32>
      %swap3A_494 = arith.index_cast %scan3A_96 : i32 to index
      %swap3A_495 = arith.constant 624 : index
      %swap3A_496 = tpu.vector_load %arg9[%swap3A_494, %swap3A_495] {strides = array<i32>} : memref<64x768xf32, #tpu.memory_space<vmem>>, vector<1x16xf32>,
      %swap3A_497 = vector.shape_cast %swap3A_496 : vector<1x16xf32> to vector<16xf32>
      %swap3A_498 = vector.shape_cast %mul3A_493 : vector<16xf32> to vector<1x16xf32>
      tpu.vector_store %arg9[%swap3A_494, %swap3A_495], %swap3A_498 {strides = array<i32>} : memref<64x768xf32, #tpu.memory_space<vmem>>, vector<1x16xf32>,
      %get3A_499 = arith.index_cast %scan3A_96 : i32 to index
      %get3A_500 = arith.constant 640 : index
      %get3A_501 = tpu.vector_load %arg9[%get3A_499, %get3A_500] {strides = array<i32>} : memref<64x768xf32, #tpu.memory_space<vmem>>, vector<1x16xf32>,
      %get3A_502 = vector.shape_cast %get3A_501 : vector<1x16xf32> to vector<16xf32>
      %mul3A_503 = arith.mulf %get3A_502, %get3A_99 : vector<16xf32>
      %swap3A_504 = arith.index_cast %scan3A_96 : i32 to index
      %swap3A_505 = arith.constant 640 : index
      %swap3A_506 = tpu.vector_load %arg9[%swap3A_504, %swap3A_505] {strides = array<i32>} : memref<64x768xf32, #tpu.memory_space<vmem>>, vector<1x16xf32>,
      %swap3A_507 = vector.shape_cast %swap3A_506 : vector<1x16xf32> to vector<16xf32>
      %swap3A_508 = vector.shape_cast %mul3A_503 : vector<16xf32> to vector<1x16xf32>
      tpu.vector_store %arg9[%swap3A_504, %swap3A_505], %swap3A_508 {strides = array<i32>} : memref<64x768xf32, #tpu.memory_space<vmem>>, vector<1x16xf32>,
      %get3A_509 = arith.index_cast %scan3A_96 : i32 to index
      %get3A_510 = arith.constant 656 : index
      %get3A_511 = tpu.vector_load %arg9[%get3A_509, %get3A_510] {strides = array<i32>} : memref<64x768xf32, #tpu.memory_space<vmem>>, vector<1x16xf32>,
      %get3A_512 = vector.shape_cast %get3A_511 : vector<1x16xf32> to vector<16xf32>
      %mul3A_513 = arith.mulf %get3A_512, %get3A_99 : vector<16xf32>
      %swap3A_514 = arith.index_cast %scan3A_96 : i32 to index
      %swap3A_515 = arith.constant 656 : index
      %swap3A_516 = tpu.vector_load %arg9[%swap3A_514, %swap3A_515] {strides = array<i32>} : memref<64x768xf32, #tpu.memory_space<vmem>>, vector<1x16xf32>,
      %swap3A_517 = vector.shape_cast %swap3A_516 : vector<1x16xf32> to vector<16xf32>
      %swap3A_518 = vector.shape_cast %mul3A_513 : vector<16xf32> to vector<1x16xf32>
      tpu.vector_store %arg9[%swap3A_514, %swap3A_515], %swap3A_518 {strides = array<i32>} : memref<64x768xf32, #tpu.memory_space<vmem>>, vector<1x16xf32>,
      %get3A_519 = arith.index_cast %scan3A_96 : i32 to index
      %get3A_520 = arith.constant 672 : index
      %get3A_521 = tpu.vector_load %arg9[%get3A_519, %get3A_520] {strides = array<i32>} : memref<64x768xf32, #tpu.memory_space<vmem>>, vector<1x16xf32>,
      %get3A_522 = vector.shape_cast %get3A_521 : vector<1x16xf32> to vector<16xf32>
      %mul3A_523 = arith.mulf %get3A_522, %get3A_99 : vector<16xf32>
      %swap3A_524 = arith.index_cast %scan3A_96 : i32 to index
      %swap3A_525 = arith.constant 672 : index
      %swap3A_526 = tpu.vector_load %arg9[%swap3A_524, %swap3A_525] {strides = array<i32>} : memref<64x768xf32, #tpu.memory_space<vmem>>, vector<1x16xf32>,
      %swap3A_527 = vector.shape_cast %swap3A_526 : vector<1x16xf32> to vector<16xf32>
      %swap3A_528 = vector.shape_cast %mul3A_523 : vector<16xf32> to vector<1x16xf32>
      tpu.vector_store %arg9[%swap3A_524, %swap3A_525], %swap3A_528 {strides = array<i32>} : memref<64x768xf32, #tpu.memory_space<vmem>>, vector<1x16xf32>,
      %get3A_529 = arith.index_cast %scan3A_96 : i32 to index
      %get3A_530 = arith.constant 688 : index
      %get3A_531 = tpu.vector_load %arg9[%get3A_529, %get3A_530] {strides = array<i32>} : memref<64x768xf32, #tpu.memory_space<vmem>>, vector<1x16xf32>,
      %get3A_532 = vector.shape_cast %get3A_531 : vector<1x16xf32> to vector<16xf32>
      %mul3A_533 = arith.mulf %get3A_532, %get3A_99 : vector<16xf32>
      %swap3A_534 = arith.index_cast %scan3A_96 : i32 to index
      %swap3A_535 = arith.constant 688 : index
      %swap3A_536 = tpu.vector_load %arg9[%swap3A_534, %swap3A_535] {strides = array<i32>} : memref<64x768xf32, #tpu.memory_space<vmem>>, vector<1x16xf32>,
      %swap3A_537 = vector.shape_cast %swap3A_536 : vector<1x16xf32> to vector<16xf32>
      %swap3A_538 = vector.shape_cast %mul3A_533 : vector<16xf32> to vector<1x16xf32>
      tpu.vector_store %arg9[%swap3A_534, %swap3A_535], %swap3A_538 {strides = array<i32>} : memref<64x768xf32, #tpu.memory_space<vmem>>, vector<1x16xf32>,
      %get3A_539 = arith.index_cast %scan3A_96 : i32 to index
      %get3A_540 = arith.constant 704 : index
      %get3A_541 = tpu.vector_load %arg9[%get3A_539, %get3A_540] {strides = array<i32>} : memref<64x768xf32, #tpu.memory_space<vmem>>, vector<1x16xf32>,
      %get3A_542 = vector.shape_cast %get3A_541 : vector<1x16xf32> to vector<16xf32>
      %mul3A_543 = arith.mulf %get3A_542, %get3A_99 : vector<16xf32>
      %swap3A_544 = arith.index_cast %scan3A_96 : i32 to index
      %swap3A_545 = arith.constant 704 : index
      %swap3A_546 = tpu.vector_load %arg9[%swap3A_544, %swap3A_545] {strides = array<i32>} : memref<64x768xf32, #tpu.memory_space<vmem>>, vector<1x16xf32>,
      %swap3A_547 = vector.shape_cast %swap3A_546 : vector<1x16xf32> to vector<16xf32>
      %swap3A_548 = vector.shape_cast %mul3A_543 : vector<16xf32> to vector<1x16xf32>
      tpu.vector_store %arg9[%swap3A_544, %swap3A_545], %swap3A_548 {strides = array<i32>} : memref<64x768xf32, #tpu.memory_space<vmem>>, vector<1x16xf32>,
      %get3A_549 = arith.index_cast %scan3A_96 : i32 to index
      %get3A_550 = arith.constant 720 : index
      %get3A_551 = tpu.vector_load %arg9[%get3A_549, %get3A_550] {strides = array<i32>} : memref<64x768xf32, #tpu.memory_space<vmem>>, vector<1x16xf32>,
      %get3A_552 = vector.shape_cast %get3A_551 : vector<1x16xf32> to vector<16xf32>
      %mul3A_553 = arith.mulf %get3A_552, %get3A_99 : vector<16xf32>
      %swap3A_554 = arith.index_cast %scan3A_96 : i32 to index
      %swap3A_555 = arith.constant 720 : index
      %swap3A_556 = tpu.vector_load %arg9[%swap3A_554, %swap3A_555] {strides = array<i32>} : memref<64x768xf32, #tpu.memory_space<vmem>>, vector<1x16xf32>,
      %swap3A_557 = vector.shape_cast %swap3A_556 : vector<1x16xf32> to vector<16xf32>
      %swap3A_558 = vector.shape_cast %mul3A_553 : vector<16xf32> to vector<1x16xf32>
      tpu.vector_store %arg9[%swap3A_554, %swap3A_555], %swap3A_558 {strides = array<i32>} : memref<64x768xf32, #tpu.memory_space<vmem>>, vector<1x16xf32>,
      %get3A_559 = arith.index_cast %scan3A_96 : i32 to index
      %get3A_560 = arith.constant 736 : index
      %get3A_561 = tpu.vector_load %arg9[%get3A_559, %get3A_560] {strides = array<i32>} : memref<64x768xf32, #tpu.memory_space<vmem>>, vector<1x16xf32>,
      %get3A_562 = vector.shape_cast %get3A_561 : vector<1x16xf32> to vector<16xf32>
      %mul3A_563 = arith.mulf %get3A_562, %get3A_99 : vector<16xf32>
      %swap3A_564 = arith.index_cast %scan3A_96 : i32 to index
      %swap3A_565 = arith.constant 736 : index
      %swap3A_566 = tpu.vector_load %arg9[%swap3A_564, %swap3A_565] {strides = array<i32>} : memref<64x768xf32, #tpu.memory_space<vmem>>, vector<1x16xf32>,
      %swap3A_567 = vector.shape_cast %swap3A_566 : vector<1x16xf32> to vector<16xf32>
      %swap3A_568 = vector.shape_cast %mul3A_563 : vector<16xf32> to vector<1x16xf32>
      tpu.vector_store %arg9[%swap3A_564, %swap3A_565], %swap3A_568 {strides = array<i32>} : memref<64x768xf32, #tpu.memory_space<vmem>>, vector<1x16xf32>,
      %get3A_569 = arith.index_cast %scan3A_96 : i32 to index
      %get3A_570 = arith.constant 752 : index
      %get3A_571 = tpu.vector_load %arg9[%get3A_569, %get3A_570] {strides = array<i32>} : memref<64x768xf32, #tpu.memory_space<vmem>>, vector<1x16xf32>,
      %get3A_572 = vector.shape_cast %get3A_571 : vector<1x16xf32> to vector<16xf32>
      %mul3A_573 = arith.mulf %get3A_572, %get3A_99 : vector<16xf32>
      %swap3A_574 = arith.index_cast %scan3A_96 : i32 to index
      %swap3A_575 = arith.constant 752 : index
      %swap3A_576 = tpu.vector_load %arg9[%swap3A_574, %swap3A_575] {strides = array<i32>} : memref<64x768xf32, #tpu.memory_space<vmem>>, vector<1x16xf32>,
      %swap3A_577 = vector.shape_cast %swap3A_576 : vector<1x16xf32> to vector<16xf32>
      %swap3A_578 = vector.shape_cast %mul3A_573 : vector<16xf32> to vector<1x16xf32>
      tpu.vector_store %arg9[%swap3A_574, %swap3A_575], %swap3A_578 {strides = array<i32>} : memref<64x768xf32, #tpu.memory_space<vmem>>, vector<1x16xf32>,
    }
    %scan3A_63 = arith.constant 32 : i32
    %add3A_64 = arith.constant 32 : i32
    %add3A_65 = arith.addi %mul3A_2, %add3A_64 : i32
    %dma_start3A_66 = arith.constant 32 : i32
    %dma_start3A_67 = arith.constant 0 : i32
    %dma_start3A_68 = tpu.memref_slice %arg9[%dma_start3A_66, %dma_start3A_67] : memref<64x768xf32, #tpu.memory_space<vmem>> -> memref<32x768xf32, #tpu.memory_space<vmem>>
    %dma_start3A_69 = arith.constant 0 : i32
    %dma_start3A_70 = tpu.memref_slice %arg5[%add3A_65, %dma_start3A_69] : memref<2048x768xf32, #tpu.memory_space<hbm>> -> memref<32x768xf32, #tpu.memory_space<hbm>>
    %dma_start3A_71 = arith.constant 0 : i32
    %dma_start3A_72 = tpu.memref_slice %arg5[%add3A_65, %dma_start3A_71] : memref<2048x768xf32, #tpu.memory_space<hbm>> -> memref<32x768xf32, #tpu.memory_space<hbm>>
    %dma_start3A_73 = arith.constant 32 : i32
    %dma_start3A_74 = arith.constant 0 : i32
    %dma_start3A_75 = tpu.memref_slice %arg9[%dma_start3A_73, %dma_start3A_74] : memref<64x768xf32, #tpu.memory_space<vmem>> -> memref<32x768xf32, #tpu.memory_space<vmem>>
    tpu.enqueue_dma source(%dma_start3A_75 : memref<32x768xf32, #tpu.memory_space<vmem>>) target(%dma_start3A_72 : memref<32x768xf32, #tpu.memory_space<hbm>>) target_semaphore(%arg11 : memref<!tpu.dma_semaphore, #tpu.memory_space<semaphore_mem>>)
    %dma_wait3A_76 = arith.constant 32 : i32
    %dma_wait3A_77 = arith.constant 0 : i32
    %dma_wait3A_78 = tpu.memref_slice %arg9[%dma_wait3A_76, %dma_wait3A_77] : memref<64x768xf32, #tpu.memory_space<vmem>> -> memref<32x768xf32, #tpu.memory_space<vmem>>
    %dma_wait3A_79 = arith.constant 0 : i32
    %dma_wait3A_80 = tpu.memref_slice %arg5[%add3A_65, %dma_wait3A_79] : memref<2048x768xf32, #tpu.memory_space<hbm>> -> memref<32x768xf32, #tpu.memory_space<hbm>>
    %dma_wait3A_81 = arith.constant 0 : i32
    %dma_wait3A_82 = tpu.memref_slice %arg5[%add3A_65, %dma_wait3A_81] : memref<2048x768xf32, #tpu.memory_space<hbm>> -> memref<32x768xf32, #tpu.memory_space<hbm>>
    %dma_wait3A_83 = arith.constant 32 : i32
    %dma_wait3A_84 = arith.constant 0 : i32
    %dma_wait3A_85 = tpu.memref_slice %arg9[%dma_wait3A_83, %dma_wait3A_84] : memref<64x768xf32, #tpu.memory_space<vmem>> -> memref<32x768xf32, #tpu.memory_space<vmem>>
    tpu.wait_dma2 semaphore(%arg11 : memref<!tpu.dma_semaphore, #tpu.memory_space<semaphore_mem>>) src(%dma_wait3A_85 : memref<32x768xf32, #tpu.memory_space<vmem>>) dst(%dma_wait3A_82 : memref<32x768xf32, #tpu.memory_space<hbm>>)
    %dma_wait3A_86 = arith.constant 0 : i32
    %dma_wait3A_87 = arith.constant 0 : i32
    %dma_wait3A_88 = tpu.memref_slice %arg9[%dma_wait3A_86, %dma_wait3A_87] : memref<64x768xf32, #tpu.memory_space<vmem>> -> memref<32x768xf32, #tpu.memory_space<vmem>>
    %dma_wait3A_89 = arith.constant 0 : i32
    %dma_wait3A_90 = tpu.memref_slice %arg5[%mul3A_2, %dma_wait3A_89] : memref<2048x768xf32, #tpu.memory_space<hbm>> -> memref<32x768xf32, #tpu.memory_space<hbm>>
    %dma_wait3A_91 = arith.constant 0 : i32
    %dma_wait3A_92 = tpu.memref_slice %arg5[%mul3A_2, %dma_wait3A_91] : memref<2048x768xf32, #tpu.memory_space<hbm>> -> memref<32x768xf32, #tpu.memory_space<hbm>>
    %dma_wait3A_93 = arith.constant 0 : i32
    %dma_wait3A_94 = arith.constant 0 : i32
    %dma_wait3A_95 = tpu.memref_slice %arg9[%dma_wait3A_93, %dma_wait3A_94] : memref<64x768xf32, #tpu.memory_space<vmem>> -> memref<32x768xf32, #tpu.memory_space<vmem>>
    tpu.wait_dma2 semaphore(%arg10 : memref<!tpu.dma_semaphore, #tpu.memory_space<semaphore_mem>>) src(%dma_wait3A_95 : memref<32x768xf32, #tpu.memory_space<vmem>>) dst(%dma_wait3A_92 : memref<32x768xf32, #tpu.memory_space<hbm>>)
    return
  }
}

module attributes {stable_mosaic.version = 14 : i64} {
  func.func @_ffn_body(%arg0: i32, %arg1: memref<64x768xf32, #tpu.memory_space<vmem>>, %arg2: memref<1x2048x768xf32, #tpu.memory_space<vmem>>, %arg3: memref<1x768x1024xf32, #tpu.memory_space<vmem>>, %arg4: memref<64x768xf32, #tpu.memory_space<vmem>>) attributes {dimension_semantics = [#tpu.dimension_semantics<arbitrary>], iteration_bounds = array<i64: 64>, scalar_prefetch = 0 : i64, scratch_operands = 0 : i64, tpu.core_type = #tpu.core_type<tc>, window_params = [{transform_indices = @transform_0, window_bounds = array<i64: 64, 768>}, {transform_indices = @transform_1, window_bounds = array<i64: 1, 2048, 768>}, {transform_indices = @transform_2, window_bounds = array<i64: 1, 768, 1024>}, {transform_indices = @transform_3, window_bounds = array<i64: 64, 768>}]} {
    %get3A = arith.constant 0 : index
    %get3A_0 = arith.constant 0 : index
    %get3A_1 = vector.load %arg1[%get3A, %get3A_0] : memref<64x768xf32, #tpu.memory_space<vmem>>, vector<64x768xf32>
    %get3A_2 = arith.constant 0 : index
    %get3A_3 = arith.constant 0 : index
    %get3A_4 = arith.constant 0 : index
    %get3A_5 = vector.load %arg2[%get3A_2, %get3A_3, %get3A_4] : memref<1x2048x768xf32, #tpu.memory_space<vmem>>, vector<1x2048x768xf32>
    %get3A_6 = vector.shape_cast %get3A_5 : vector<1x2048x768xf32> to vector<2048x768xf32>
    %dot_general3A = arith.constant dense<0.000000e+00> : vector<64x2048xf32>
    %dot_general3A_7 = tpu.matmul %get3A_1, %get3A_6, %dot_general3A {dimension_numbers = #tpu.dot_dimension_numbers<[1], [1], [0], [0], [0, 0, 1, 0], [], []>, transpose_lhs_hint = false} : vector<64x768xf32>, vector<2048x768xf32>, vector<64x2048xf32> -> vector<64x2048xf32>
    %slice3A = vector.extract_strided_slice %dot_general3A_7 {offsets = [0, 0], sizes = [64, 1024], strides = [1, 1]} : vector<64x2048xf32> to vector<64x1024xf32>
    %slice3A_8 = vector.extract_strided_slice %dot_general3A_7 {offsets = [0, 1024], sizes = [64, 1024], strides = [1, 1]} : vector<64x2048xf32> to vector<64x1024xf32>
    %neg3A = arith.constant 0.000000e+00 : f32
    %neg3A_9 = vector.broadcast %neg3A : f32 to vector<64x1024xf32>
    %neg3A_10 = arith.subf %neg3A_9, %slice3A : vector<64x1024xf32>
    %exp3A = math.exp %neg3A_10 : vector<64x1024xf32>
    %add3A = arith.constant 1.000000e+00 : f32
    %add3A_11 = vector.broadcast %add3A : f32 to vector<64x1024xf32>
    %add3A_12 = arith.addf %add3A_11, %exp3A : vector<64x1024xf32>
    %div3A = arith.constant 1.000000e+00 : f32
    %div3A_13 = vector.broadcast %div3A : f32 to vector<64x1024xf32>
    %div3A_14 = arith.divf %div3A_13, %add3A_12 : vector<64x1024xf32>
    %mul3A = arith.mulf %slice3A, %div3A_14 : vector<64x1024xf32>
    %mul3A_15 = arith.mulf %mul3A, %slice3A_8 : vector<64x1024xf32>
    %get3A_16 = arith.constant 0 : index
    %get3A_17 = arith.constant 0 : index
    %get3A_18 = arith.constant 0 : index
    %get3A_19 = vector.load %arg3[%get3A_16, %get3A_17, %get3A_18] : memref<1x768x1024xf32, #tpu.memory_space<vmem>>, vector<1x768x1024xf32>
    %get3A_20 = vector.shape_cast %get3A_19 : vector<1x768x1024xf32> to vector<768x1024xf32>
    %dot_general3A_21 = arith.constant dense<0.000000e+00> : vector<64x768xf32>
    %dot_general3A_22 = tpu.matmul %mul3A_15, %get3A_20, %dot_general3A_21 {dimension_numbers = #tpu.dot_dimension_numbers<[1], [1], [0], [0], [0, 0, 1, 0], [], []>, transpose_lhs_hint = false} : vector<64x1024xf32>, vector<768x1024xf32>, vector<64x768xf32> -> vector<64x768xf32>
    %swap3A = arith.constant 0 : index
    %swap3A_23 = arith.constant 0 : index
    %swap3A_24 = vector.load %arg4[%swap3A, %swap3A_23] : memref<64x768xf32, #tpu.memory_space<vmem>>, vector<64x768xf32>
    tpu.vector_store %arg4[%swap3A, %swap3A_23], %dot_general3A_22 {strides = array<i32>} : memref<64x768xf32, #tpu.memory_space<vmem>>, vector<64x768xf32>,
    return
  }
  func.func @transform_0(%arg0: i32) -> (i32, i32) {
    %c0_i32 = arith.constant 0 : i32
    %c0_i32_0 = arith.constant 0 : i32
    return %arg0, %c0_i32 : i32, i32
  }
  func.func @transform_1(%arg0: i32) -> (i32, i32, i32) {
    %c0_i32 = arith.constant 0 : i32
    %c0_i32_0 = arith.constant 0 : i32
    %c0_i32_1 = arith.constant 0 : i32
    return %arg0, %c0_i32, %c0_i32_0 : i32, i32, i32
  }
  func.func @transform_2(%arg0: i32) -> (i32, i32, i32) {
    %c0_i32 = arith.constant 0 : i32
    %c0_i32_0 = arith.constant 0 : i32
    %c0_i32_1 = arith.constant 0 : i32
    return %arg0, %c0_i32, %c0_i32_0 : i32, i32, i32
  }
  func.func @transform_3(%arg0: i32) -> (i32, i32) {
    %c0_i32 = arith.constant 0 : i32
    %c0_i32_0 = arith.constant 0 : i32
    return %arg0, %c0_i32 : i32, i32
  }
}

module attributes {stable_mosaic.version = 14 : i64} {
  func.func @_routing_body(%arg0: i32, %arg1: memref<1x1x256xi32, #tpu.memory_space<vmem>>, %arg2: memref<1x1x256xf32, #tpu.memory_space<vmem>>, %arg3: memref<1x1x256xi32, #tpu.memory_space<vmem>>, %arg4: memref<1x1x256xi32, #tpu.memory_space<vmem>>, %arg5: memref<1x1x256xf32, #tpu.memory_space<vmem>>, %arg6: memref<64x128xf32, #tpu.memory_space<vmem>>) attributes {dimension_semantics = [#tpu.dimension_semantics<arbitrary>], iteration_bounds = array<i64: 8>, scalar_prefetch = 0 : i64, scratch_operands = 1 : i64, tpu.core_type = #tpu.core_type<tc>, window_params = [{transform_indices = @transform_0, window_bounds = array<i64: 1, 1, 256>}, {transform_indices = @transform_1, window_bounds = array<i64: 1, 1, 256>}, {transform_indices = @transform_2, window_bounds = array<i64: 1, 1, 256>}, {transform_indices = @transform_3, window_bounds = array<i64: 1, 1, 256>}, {transform_indices = @transform_4, window_bounds = array<i64: 1, 1, 256>}]} {
    %eq3A = arith.constant 0 : i32
    %eq3A_0 = arith.cmpi eq, %arg0, %eq3A : i32
    %convert_element_type3A = arith.extui %eq3A_0 : i1 to i32
    %cond3A = arith.constant 0 : i32
    %cond3A_1 = arith.cmpi ne, %convert_element_type3A, %cond3A : i32
    scf.if %cond3A_1 {
      %broadcast_in_dim3A_66 = arith.constant 0.000000e+00 : f32
      %broadcast_in_dim3A_67 = vector.broadcast %broadcast_in_dim3A_66 : f32 to vector<64x128xf32>
      %swap3A_68 = arith.constant 0 : index
      %swap3A_69 = arith.constant 0 : index
      %swap3A_70 = vector.load %arg6[%swap3A_68, %swap3A_69] : memref<64x128xf32, #tpu.memory_space<vmem>>, vector<64x128xf32>
      tpu.vector_store %arg6[%swap3A_68, %swap3A_69], %broadcast_in_dim3A_67 {strides = array<i32>} : memref<64x128xf32, #tpu.memory_space<vmem>>, vector<64x128xf32>,
    } else {
    }
    %get3A = arith.constant 0 : index
    %get3A_2 = arith.constant 0 : index
    %get3A_3 = arith.constant 0 : index
    %get3A_4 = vector.load %arg1[%get3A, %get3A_2, %get3A_3] : memref<1x1x256xi32, #tpu.memory_space<vmem>>, vector<1x1x256xi32>
    %get3A_5 = vector.shape_cast %get3A_4 : vector<1x1x256xi32> to vector<1x256xi32>
    %get3A_6 = arith.constant 0 : index
    %get3A_7 = arith.constant 0 : index
    %get3A_8 = arith.constant 0 : index
    %get3A_9 = vector.load %arg2[%get3A_6, %get3A_7, %get3A_8] : memref<1x1x256xf32, #tpu.memory_space<vmem>>, vector<1x1x256xf32>
    %get3A_10 = vector.shape_cast %get3A_9 : vector<1x1x256xf32> to vector<1x256xf32>
    %iota3A = tpu.iota {dimensions = array<i32: 0>} : vector<64x256xi32>
    %eq3A_11 = vector.broadcast %get3A_5 : vector<1x256xi32> to vector<64x256xi32>
    %eq3A_12 = arith.cmpi eq, %iota3A, %eq3A_11 : vector<64x256xi32>
    %convert_element_type3A_13 = arith.extui %eq3A_12 : vector<64x256xi1> to vector<64x256xi32>
    %convert_element_type3A_14 = arith.sitofp %convert_element_type3A_13 : vector<64x256xi32> to vector<64x256xf32>
    %iota3A_15 = tpu.iota {dimensions = array<i32: 0>} : vector<256x256xi32>
    %iota3A_16 = tpu.iota {dimensions = array<i32: 1>} : vector<256x256xi32>
    %le3A = arith.cmpi sle, %iota3A_15, %iota3A_16 : vector<256x256xi32>
    %convert_element_type3A_17 = arith.extui %le3A : vector<256x256xi1> to vector<256x256xi32>
    %convert_element_type3A_18 = arith.sitofp %convert_element_type3A_17 : vector<256x256xi32> to vector<256x256xf32>
    %dot_general3A = arith.constant dense<0.000000e+00> : vector<64x256xf32>
    %dot_general3A_19 = tpu.matmul %convert_element_type3A_14, %convert_element_type3A_18, %dot_general3A {dimension_numbers = #tpu.dot_dimension_numbers<[1], [0], [0], [1], [0, 0, 1, 1], [], []>, transpose_lhs_hint = false} : vector<64x256xf32>, vector<256x256xf32>, vector<64x256xf32> -> vector<64x256xf32>
    %get3A_20 = arith.constant 0 : index
    %get3A_21 = arith.constant 0 : index
    %get3A_22 = vector.load %arg6[%get3A_20, %get3A_21] : memref<64x128xf32, #tpu.memory_space<vmem>>, vector<64x1xf32>
    %add3A = vector.broadcast %get3A_22 : vector<64x1xf32> to vector<64x256xf32>
    %add3A_23 = arith.addf %dot_general3A_19, %add3A : vector<64x256xf32>
    %mul3A = arith.mulf %convert_element_type3A_14, %add3A_23 : vector<64x256xf32>
    %reduce_sum3A = arith.constant dense<0.000000e+00> : vector<256xf32>
    %reduce_sum3A_24 = vector.multi_reduction <add>, %mul3A, %reduce_sum3A [0] : vector<64x256xf32> to vector<256xf32>
    %broadcast_in_dim3A = vector.shape_cast %reduce_sum3A_24 : vector<256xf32> to vector<1x256xf32>
    %sub3A = arith.constant 1.000000e+00 : f32
    %sub3A_25 = vector.broadcast %sub3A : f32 to vector<1x256xf32>
    %sub3A_26 = arith.subf %broadcast_in_dim3A, %sub3A_25 : vector<1x256xf32>
    %convert_element_type3A_27 = arith.fptosi %sub3A_26 : vector<1x256xf32> to vector<1x256xi32>
    %lt3A = arith.constant 64 : i32
    %lt3A_28 = vector.broadcast %lt3A : i32 to vector<1x256xi32>
    %lt3A_29 = arith.cmpi slt, %convert_element_type3A_27, %lt3A_28 : vector<1x256xi32>
    %mul3A_30 = arith.constant 64 : i32
    %mul3A_31 = vector.broadcast %mul3A_30 : i32 to vector<1x256xi32>
    %mul3A_32 = arith.muli %get3A_5, %mul3A_31 : vector<1x256xi32>
    %add3A_33 = arith.addi %mul3A_32, %convert_element_type3A_27 : vector<1x256xi32>
    %jit3A = arith.constant 4096 : i32
    %broadcast_in_dim3A_34 = vector.broadcast %jit3A : i32 to vector<1x256xi32>
    %select_n3A = arith.select %lt3A_29, %add3A_33, %broadcast_in_dim3A_34 : vector<1x256xi1>, vector<1x256xi32>
    %swap3A = arith.constant 0 : index
    %swap3A_35 = arith.constant 0 : index
    %swap3A_36 = arith.constant 0 : index
    %swap3A_37 = vector.load %arg3[%swap3A, %swap3A_35, %swap3A_36] : memref<1x1x256xi32, #tpu.memory_space<vmem>>, vector<1x1x256xi32>
    %swap3A_38 = vector.shape_cast %swap3A_37 : vector<1x1x256xi32> to vector<1x256xi32>
    %swap3A_39 = vector.shape_cast %select_n3A : vector<1x256xi32> to vector<1x1x256xi32>
    tpu.vector_store %arg3[%swap3A, %swap3A_35, %swap3A_36], %swap3A_39 {strides = array<i32>} : memref<1x1x256xi32, #tpu.memory_space<vmem>>, vector<1x1x256xi32>,
    %mul3A_40 = arith.constant 64 : i32
    %mul3A_41 = vector.broadcast %mul3A_40 : i32 to vector<1x256xi32>
    %mul3A_42 = arith.muli %get3A_5, %mul3A_41 : vector<1x256xi32>
    %select_n3A_43 = arith.select %lt3A_29, %add3A_33, %mul3A_42 : vector<1x256xi1>, vector<1x256xi32>
    %swap3A_44 = arith.constant 0 : index
    %swap3A_45 = arith.constant 0 : index
    %swap3A_46 = arith.constant 0 : index
    %swap3A_47 = vector.load %arg4[%swap3A_44, %swap3A_45, %swap3A_46] : memref<1x1x256xi32, #tpu.memory_space<vmem>>, vector<1x1x256xi32>
    %swap3A_48 = vector.shape_cast %swap3A_47 : vector<1x1x256xi32> to vector<1x256xi32>
    %swap3A_49 = vector.shape_cast %select_n3A_43 : vector<1x256xi32> to vector<1x1x256xi32>
    tpu.vector_store %arg4[%swap3A_44, %swap3A_45, %swap3A_46], %swap3A_49 {strides = array<i32>} : memref<1x1x256xi32, #tpu.memory_space<vmem>>, vector<1x1x256xi32>,
    %jit3A_50 = arith.constant 0.000000e+00 : f32
    %broadcast_in_dim3A_51 = vector.broadcast %jit3A_50 : f32 to vector<1x256xf32>
    %select_n3A_52 = arith.select %lt3A_29, %get3A_10, %broadcast_in_dim3A_51 : vector<1x256xi1>, vector<1x256xf32>
    %swap3A_53 = arith.constant 0 : index
    %swap3A_54 = arith.constant 0 : index
    %swap3A_55 = arith.constant 0 : index
    %swap3A_56 = vector.load %arg5[%swap3A_53, %swap3A_54, %swap3A_55] : memref<1x1x256xf32, #tpu.memory_space<vmem>>, vector<1x1x256xf32>
    %swap3A_57 = vector.shape_cast %swap3A_56 : vector<1x1x256xf32> to vector<1x256xf32>
    %swap3A_58 = vector.shape_cast %select_n3A_52 : vector<1x256xf32> to vector<1x1x256xf32>
    tpu.vector_store %arg5[%swap3A_53, %swap3A_54, %swap3A_55], %swap3A_58 {strides = array<i32>} : memref<1x1x256xf32, #tpu.memory_space<vmem>>, vector<1x1x256xf32>,
    %reduce_sum3A_59 = arith.constant dense<0.000000e+00> : vector<64xf32>
    %reduce_sum3A_60 = vector.multi_reduction <add>, %convert_element_type3A_14, %reduce_sum3A_59 [1] : vector<64x256xf32> to vector<64xf32>
    %broadcast_in_dim3A_61 = vector.shape_cast %reduce_sum3A_60 : vector<64xf32> to vector<64x1xf32>
    %add3A_62 = arith.addf %get3A_22, %broadcast_in_dim3A_61 : vector<64x1xf32>
    %swap3A_63 = arith.constant 0 : index
    %swap3A_64 = arith.constant 0 : index
    %swap3A_65 = vector.load %arg6[%swap3A_63, %swap3A_64] : memref<64x128xf32, #tpu.memory_space<vmem>>, vector<64x1xf32>
    tpu.vector_store %arg6[%swap3A_63, %swap3A_64], %add3A_62 {strides = array<i32>} : memref<64x128xf32, #tpu.memory_space<vmem>>, vector<64x1xf32>,
    return
  }
  func.func @transform_0(%arg0: i32) -> (i32, i32, i32) {
    %c0_i32 = arith.constant 0 : i32
    %c0_i32_0 = arith.constant 0 : i32
    %c0_i32_1 = arith.constant 0 : i32
    return %arg0, %c0_i32, %c0_i32_0 : i32, i32, i32
  }
  func.func @transform_1(%arg0: i32) -> (i32, i32, i32) {
    %c0_i32 = arith.constant 0 : i32
    %c0_i32_0 = arith.constant 0 : i32
    %c0_i32_1 = arith.constant 0 : i32
    return %arg0, %c0_i32, %c0_i32_0 : i32, i32, i32
  }
  func.func @transform_2(%arg0: i32) -> (i32, i32, i32) {
    %c0_i32 = arith.constant 0 : i32
    %c0_i32_0 = arith.constant 0 : i32
    %c0_i32_1 = arith.constant 0 : i32
    return %arg0, %c0_i32, %c0_i32_0 : i32, i32, i32
  }
  func.func @transform_3(%arg0: i32) -> (i32, i32, i32) {
    %c0_i32 = arith.constant 0 : i32
    %c0_i32_0 = arith.constant 0 : i32
    %c0_i32_1 = arith.constant 0 : i32
    return %arg0, %c0_i32, %c0_i32_0 : i32, i32, i32
  }
  func.func @transform_4(%arg0: i32) -> (i32, i32, i32) {
    %c0_i32 = arith.constant 0 : i32
    %c0_i32_0 = arith.constant 0 : i32
    %c0_i32_1 = arith.constant 0 : i32
    return %arg0, %c0_i32, %c0_i32_0 : i32, i32, i32
  }
}

</mosaic_0001>

<sc_bundles>
// kernel: kernel.6.cloned.1.call-start
scs
__scs_entry_jumppad:
0x0: {  	(pc) =	sbr.rel $0x88, $3  }
0x1: {  	(tag) =	ssettag $0x0;
	lr =	simm.s32 $0x1  }
0x2: {  	[smem:$0x3F9C] =	sst lr;
	_ =	strace $0xD0000000  }
0x3: {  	_ = 	snop  }
0x4: {  	_ = 	snop  }
0x5: {  	_ = 	snop  }
0x6: {  	_ = 	snop  }
0x7: {  	_ = 	snop  }
__scs_overlays_trampoline_lowered:
0x8: {  	[smem:$0x3FAB] =	sst s0  }
0x9: {  	[smem:$0x3FAC] =	sst s1  }
0xa: {  	[smem:$0x3FAD] =	sst s2  }
0xb: {  	[smem:$0x3FAE] =	sst s3  }
0xc: {  	[smem:$0x3FAF] =	sst s4  }
0xd: {  	[smem:$0x3FB0] =	sst s5  }
0xe: {  	[smem:$0x3FB1] =	sst s6  }
0xf: {  	[smem:$0x3FB2] =	sst s7  }
0x10: {  	[smem:$0x3FB3] =	sst s8  }
0x11: {  	[smem:$0x3FB4] =	sst s9;
	s0 =	simm.s32 @!p0 $0x0  }
0x12: {  	s1 =	sld [smem:$0x3F9A];
	s0 =	simm.s32 @p0 $0x1  }
0x13: {  	[smem:$0x3FB5] =	sst s0;
	s0 =	simm.s32 @!p1 $0x0  }
0x14: {  	s2 =	sld [smem:$0x3F99];
	s0 =	simm.s32 @p1 $0x1  }
0x15: {  	[smem:$0x3FB6] =	sst s0;
	s0 =	simm.s32 @!p2 $0x0  }
0x16: {  	s3 =	sld [smem:$0x3FDB];
	s0 =	simm.s32 @p2 $0x1  }
0x17: {  	s4 =	simm.s32 $0x1BF5;
	[smem:$0x3FB8] =	sst s0  }
0x18: {  	s0 =	sld [smem:$0x3F9B];
	_ =	swait.ge [sflag:s4], $0x0  }
0x19: {  	s7 =	sld [smem:$0x3F9C]  }
0x1a: {  	s8 =	sadd.s32 $0xFFFFE003, lr  }
0x1b: {  	s9 =	sadd.s32 $0xFFFFFEF7, lr;
	s5 =	simm.s32 $0xFFFFFFFF;
	p2 =	slt.u32 s8, $0xFFFFF086  }
0x1c: {  	p1 =	slt.u32 s9, $0xF7A;
	s5 =	simm.s32 @!p2 $0x0  }
0x1d: {  	s5 =	simm.s32 @p1 $0x1;
	p0 =	seq.s32 s7, s2  }
0x1e: {  	s7 =	smul.u32 @!p0 $0xF7A, s2;
	p2 =	seq.s32 @!p0 s5, $0x0  }
0x1f: {  	s9 =	smul.u32 $0xF7A, s1;
	s8 =	simm.s32 @!p0 $0x1BF5;
	p2 =	por !p2, p0  }
0x20: {  	[sflag:s8] =	ssyncset.s32 @!p0 $0xFFFFF086;
	s6 =	sadd.s32 @!p0 s3, s7;
	s7 =	simm.s32 @!p0 $0x108  }
0x21: {  	s3 =	sadd.s32 s3, s9;
	s6 =	sadd.s32 @!p0 $0x88, s6;
	s7 =	simm.s32 @p2 $0x1082  }
0x22: {  	[simem:s7], [sflag:s8] =	dma.local @!p0 [hbm:s6], $0xF7A  }
0x23: {  	s9 =	sor.u32 $0xD0000000, s2;
	s6 =	simm.s32 $0x108;
	_ =	swait.ge @!p0 [sflag:s8], $0x0  }
0x24: {  	s3 =	sadd.s32 $0x88, s3;
	s6 =	simm.s32 @!p1 $0x1082;
	[sflag:s4] =	ssyncset.s32 $0xFFFFF086  }
0x25: {  	[simem:s6], [sflag:s4] =	dma.local [hbm:s3], $0xF7A  }
0x26: {  	[smem:$0x3F9C] =	sst s1;
	(tag) =	ssettag s2;
	_ =	strace s9  }
0x27: {  	s1 =	sld [smem:$0x3FAC]  }
0x28: {  	s2 =	sld [smem:$0x3FAD]  }
0x29: {  	s4 =	sld [smem:$0x3FAF]  }
0x2a: {  	p0 =	seq.s32 s5, $0x0;
	s5 =	sld [smem:$0x3FB0]  }
0x2b: {  	s6 =	sld [smem:$0x3FB1]  }
0x2c: {  	s7 =	sld [smem:$0x3FB2]  }
0x2d: {  	s3 =	simm.s32 $0x108;
	s8 =	sld [smem:$0x3FB3]  }
0x2e: {  	s3 =	simm.s32 @!p0 $0x1082;
	s9 =	sld [smem:$0x3FB4]  }
0x2f: {  	lr =	sadd.s32 s0, s3;
	s0 =	sld [smem:$0x3FAB]  }
0x30: {  	s3 =	sld [smem:$0x3FAE]  }
0x31: {  	[smem:$0x3FB7] =	sst s10  }
0x32: {  	s10 =	sld [smem:$0x3FB5];
	_ =	sdelay $0x3  }
0x33: {  	p0 =	seq.s32 s10, $0x1;
	s10 =	sld [smem:$0x3FB7];
	_ =	sdelay $0x3  }
0x34: {  	[smem:$0x3FB7] =	sst s10  }
0x35: {  	s10 =	sld [smem:$0x3FB6];
	_ =	sdelay $0x3  }
0x36: {  	p1 =	seq.s32 s10, $0x1;
	s10 =	sld [smem:$0x3FB7];
	_ =	sdelay $0x3  }
0x37: {  	[smem:$0x3FB7] =	sst s10  }
0x38: {  	s10 =	sld [smem:$0x3FB8]  }
0x39: {  	_ = 	snop;
	(pc) =	sbr.ind lr, $3  }
0x3a: {  	_ = 	snop  }
0x3b: {  	_ = 	snop  }
0x3c: {  	p2 =	seq.s32 s10, $0x1;
	s10 =	sld [smem:$0x3FB7]  }
0x3d: {  	_ =	shalt  }
0x3e: {  	_ =	shalt  }
0x3f: {  	_ =	shalt  }
0x40: {  	_ =	shalt  }
0x41: {  	_ =	shalt  }
0x42: {  	_ =	shalt  }
0x43: {  	_ =	shalt  }
0x44: {  	_ =	shalt  }
0x45: {  	_ =	shalt  }
0x46: {  	_ =	shalt  }
0x47: {  	_ =	shalt  }
0x48: {  	_ =	shalt  }
0x49: {  	_ =	shalt  }
0x4a: {  	_ =	shalt  }
0x4b: {  	_ =	shalt  }
0x4c: {  	_ =	shalt  }
0x4d: {  	_ =	shalt  }
0x4e: {  	_ =	shalt  }
0x4f: {  	_ =	shalt  }
0x50: {  	_ =	shalt  }
0x51: {  	_ =	shalt  }
0x52: {  	_ =	shalt  }
0x53: {  	_ =	shalt  }
0x54: {  	_ =	shalt  }
0x55: {  	_ =	shalt  }
0x56: {  	_ =	shalt  }
0x57: {  	_ =	shalt  }
0x58: {  	_ =	shalt  }
0x59: {  	_ =	shalt  }
0x5a: {  	_ =	shalt  }
0x5b: {  	_ =	shalt  }
0x5c: {  	_ =	shalt  }
0x5d: {  	_ =	shalt  }
0x5e: {  	_ =	shalt  }
0x5f: {  	_ =	shalt  }
0x60: {  	_ =	shalt  }
0x61: {  	_ =	shalt  }
0x62: {  	_ =	shalt  }
0x63: {  	_ =	shalt  }
0x64: {  	_ =	shalt  }
0x65: {  	_ =	shalt  }
0x66: {  	_ =	shalt  }
0x67: {  	_ =	shalt  }
0x68: {  	_ =	shalt  }
0x69: {  	_ =	shalt  }
0x6a: {  	_ =	shalt  }
0x6b: {  	_ =	shalt  }
0x6c: {  	_ =	shalt  }
0x6d: {  	_ =	shalt  }
0x6e: {  	_ =	shalt  }
0x6f: {  	_ =	shalt  }
0x70: {  	_ =	shalt  }
0x71: {  	_ =	shalt  }
0x72: {  	_ =	shalt  }
0x73: {  	_ =	shalt  }
0x74: {  	_ =	shalt  }
0x75: {  	_ =	shalt  }
0x76: {  	_ =	shalt  }
0x77: {  	_ =	shalt  }
0x78: {  	_ =	shalt  }
0x79: {  	_ =	shalt  }
0x7a: {  	_ =	shalt  }
0x7b: {  	_ =	shalt  }
0x7c: {  	_ =	shalt  }
0x7d: {  	_ =	shalt  }
0x7e: {  	_ =	shalt  }
0x7f: {  	_ =	shalt  }
0x80: {  	_ =	shalt  }
0x81: {  	_ =	shalt  }
0x82: {  	_ =	shalt  }
0x83: {  	_ =	shalt  }
0x84: {  	_ =	shalt  }
0x85: {  	_ =	shalt  }
0x86: {  	_ =	shalt  }
0x87: {  	_ =	shalt  }
.Lfunc_end0:
.L_simem_size_0:
called_computation_lowered:
.L_overlay_start_0:
0x88: {  	s2 =	sld [smem:$0x3FD9]  }
0x89: {  	s3 =	sld [smem:$0x3FFE];
	_ =	sdelay $0x1  }
0x8a: {  	s1 =	srdreg.scid  }
0x8b: {  	s0 =	sand.u32 $0x1, s1  }
0x8c: {  	s17 =	sshll.u32 s0, $0xA;
	s2 =	sadd.s32 s3, s2  }
0x8d: {  	s2 =	sadd.s32 s2, s17  }
0x8e: {  	[smem:$0x3FC3] =	sst s2  }
0x8f: {  	_ = 	snop  }
0x90: {  	s2 =	sld [smem:$0x3FC9]  }
0x91: {  	s18 =	sld [smem:$0x3FD0];
	(tm) =	ssettm $0x1  }
0x92: {  	s4 =	sld [smem:$0x3FFB];
	_ =	sdelay $0x3  }
0x93: {  	_ =	strace s4  }
0x94: {  	s4 =	sld [smem:$0x3FFC];
	_ =	sdelay $0x3  }
0x95: {  	_ =	strace s4  }
0x96: {  	s4 =	sld [smem:$0x3FFD];
	_ =	sdelay $0x3  }
0x97: {  	_ =	strace s4  }
0x98: {  	_ =	strace $0x8FFFFFFF  }
0x99: {  	s19 =	sld [smem:$0x3FDB];
	_ =	sdelay $0x1  }
0x9a: {  	s5 =	simm.s32 $_scs_section_size  }
0x9b: {  	s6 =	simm.s32 $_size__tile_overlayer_lowered;
	s7 =	simm.s32 $_tile_overlayer_lowered  }
0x9c: {  	s22 =	simm.s32 $0x1BFF;
	s21 =	sshll.u32 s7, $0x1;
	s4 =	sadd.s32 s5, s19  }
0x9d: {  	s8 =	simm.s32 $0x0;
	s20 =	sshll.u32 s6, $0x1;
	s6 =	sadd.s32 s21, s4  }
0x9e: {  	[timem:s8], [sflag:s22] =	dma.local [hbm:s6], s20  }
0x9f: {  	_ =	swait.ge [sflag:s22], s20  }
0xa0: {  	s5 =	ssub.s32 $0x0, s20;
	[sflag:s22] =	ssyncset.done $0x0  }
0xa1: {  	[sflag:s22] =	ssyncadd.s32 s5;
	_ =	sdelay $0x1  }
0xa2: {  	s23 =	simm.s32 $0x1B8B  }
0xa3: {  	_ =	swait.ge [sflag:s23], $0x1  }
0xa4: {  	[sflag:s23] =	ssyncset.done $0x0  }
0xa5: {  	s25 =	simm.s32 $0x1B8E;
	s24 =	sld [smem:$0x3FFE];
	[sflag:s23] =	ssyncadd.s32 $0xFFFFFFFF  }
0xa6: {  	s26 =	simm.s32 $execute0_lowered;
	[smem:$0x3FD2] =	sst s25  }
0xa7: {  	s6 =	sshll.u32 s26, $0x1;
	_ =	strace $0x80000046;
	[dreg:$0x1] =	wrdreg $0xFFFFFFFF  }
0xa8: {  	s28 =	simm.s32 $_size_execute0_lowered;
	s4 =	sadd.s32 s4, s6;
	[dreg:$0x0] =	wrdreg $0x0  }
0xa9: {  	s6 =	sshll.u32 s28, $0x1;
	[dreg:$0x2] =	wrdreg s4  }
0xaa: {  	[dreg:$0x3] =	wrdreg s6  }
0xab: {  	[dreg:$0x4] =	wrdreg $0xC0  }
0xac: {  	_ =	task [dreg:s8], $0x5FFFF  }
0xad: {  	[dreg:$0x1] =	wrdreg $0xFFFFFFFF  }
0xae: {  	[dreg:$0x0] =	wrdreg $0x60  }
0xaf: {  	[dreg:$0x2] =	wrdreg s2  }
0xb0: {  	[dreg:$0x3] =	wrdreg s18  }
0xb1: {  	[dreg:$0x4] =	wrdreg s24  }
0xb2: {  	[dreg:$0x5] =	wrdreg $0x9  }
0xb3: {  	_ =	task.clear_ibuf [dreg:s8], $0x6FFFF;
	_ =	strace $0x90000046  }
0xb4: {  	s29 =	simm.s32 $0x9;
	_ =	strace $0x80000048  }
0xb5: {  	_ =	swait.ge [sflag:s29], $0x1  }
0xb6: {  	[sflag:s29] =	ssyncadd.s32 $0xFFFFFFFF  }
0xb7: {  	_ =	strace $0x90000048  }
0xb8: {  	_ =	sfence  }
0xb9: {  	s30 =	sld [smem:$0x0];
	_ =	sdelay $0x2  }
0xba: {  	s31 =	sshll.u32 s1, $0xD;
	s1 =	sshrl.u32 s1, $0x2  }
0xbb: {  	s3 =	sand.u32 $0x4000, s31;
	s1 =	sadd.s32 s1, s30  }
0xbc: {  	s0 =	sor.u32 s3, s0;
	s1 =	sshll.u32 s1, $0x11  }
0xbd: {  	s0 =	sor.u32 s1, s0  }
0xbe: {  	s0 =	sadd.s32 $0x8F2B, s0  }
0xbf: {  	[sflag:s0] =	ssyncadd.remote.s32 $0x1  }
0xc0: {  	_ =	sfence.sel $0xFFFF  }
0xc1: {  	[dreg:$0x0] =	wrdreg $0xFFFFFFFF;
	(pc) =	sbr.abs _section_cstart, $3  }
0xc2: {  	[dreg:$0x1] =	wrdreg $0xFFFFFFFF  }
0xc3: {  	_ =	task.clear_ibuf [dreg:s8], $0x2FFFF;
	_ =	strace $0x9FFFFFFF  }
0xc4: {  	(tm) =	ssettm $0x7FFFFFFF  }
0xc5: {  	_ =	shalt  }
tec
execute0_lowered:
.L_overlay_start_1:
0x0: {  	(tag) =	ssettag $0x1  }
0x1: {  	s1 =	rddreg [dreg:$0x0]  }
0x2: {  	s2 =	srdreg.scid;
	s3 =	rddreg [dreg:$0x1]  }
0x3: {  	s0 =	stileid.u32;
	s5 =	rddreg [dreg:$0x2]  }
0x4: {  	s8 =	simm.s32 $0x1;
	s26 =	simm.s32 $0x880;
	s9 =	simm.s32 $0x2  }
0x5: {  	s11 =	simm.s32 $0x1880;
	s12 =	simm.s32 $0x2080;
	s13 =	simm.s32 $0x2880  }
0x6: {  	s14 =	simm.s32 $0x3080;
	s15 =	simm.s32 $0x3880;
	s16 =	simm.s32 $0x4080  }
0x7: {  	s17 =	simm.s32 $0x4880;
	s18 =	simm.s32 $0x5080;
	s19 =	simm.s32 $0x5880  }
0x8: {  	s20 =	simm.s32 $0x6080;
	s21 =	simm.s32 $0x6880;
	s22 =	simm.s32 $0x7080  }
0x9: {  	s23 =	simm.s32 $0x7880;
	s24 =	simm.s32 $0x8080;
	s28 =	simm.s32 $0x9880  }
0xa: {  	s29 =	simm.s32 $0xA080;
	s30 =	simm.s32 $0xA880;
	s31 =	simm.s32 $0xB080  }
0xb: {  	s4 =	sand.u32 $0x1, s2;
	s6 =	sshll.u32 s0, $0x4;
	s2 =	simm.s32 $0x0  }
0xc: {  	s7 =	sshll.u32 s4, $0x3;
	[smem:$0x7FF] =	sst s2;
	s4 =	ssub.s32 $0x2, s4  }
0xd: {  	s6 =	sor.u32 s7, s6;
	_ =	strace $0x80000047;
	s25 =	sshrl.u32 s4, $0x1  }
0xe: {  	[dreg:$0x6] =	wrdreg s26;
	s26 =	simm.s32 $0x9080;
	s7 =	smul.u32 $0x300, s6  }
0xf: {  	s3 =	sadd.s32 s3, s6;
	s6 =	ssub.s32 s4, s25;
	s4 =	sadd.s32 $0x1D00, s5  }
0x10: {  	v2 =	vlaneseq.u32;
	s25 =	simm.s32 $0x8880;
	[dreg:$0x4] =	wrdreg s3;
	s3 =	sadd.s32 $0x1C00, s5  }
0x11: {  	vm0 =	vmmov $0xffff;
	v1 =	vshrl.u32 v2, $0x3;
	s5 =	sadd.s32 $0x1E00, s5;
	s6 =	smax.u32 s6, $0x1;
	s1 =	sadd.s32 s1, s7  }
0x12: {  	v0 =	vand.u32 $0x7, v2;
	v2 =	vor.u32 $0x8, v2;
	v1 =	vmul.u32 $0x8, v1;
	s7 =	simm.s32 $0x80;
	[dreg:$0x5] =	wrdreg s1;
	s1 =	simm.s32 $0xB880  }
.LBB2_1:
0x13: {  	s0 =	rddreg [dreg:$0x4]  }
0x14: {  	[tilespmem:s2], [sflag:$0x1] =	stream.linear.gather [hbm4b:s0+s2], $0x40, $0x38;
	[tilespmem:$0xC080] =	vst v63  }
0x15: {  	s10 =	rddreg [dreg:$0x5]  }
0x16: {  	[tilespmem:s7], [sflag:$0x2] =	stream.linear.gather [hbm4b:s10+s2], $0xC000, $0x38;
	[tilespmem:$0xC080] =	vst v63  }
0x17: {  	_ =	swait.ge [sflag:s8], $0x40  }
0x18: {  	[sflag:s8] =	ssyncset.done $0x0  }
0x19: {  	[sflag:s8] =	ssyncadd.s32 $0xFFFFFFC0  }
0x1a: {  	_ =	swait.ge [sflag:s9], $0xC000  }
0x1b: {  	[sflag:s9] =	ssyncset.done $0x0  }
0x1c: {  	[sflag:s9] =	ssyncadd.s32 $0xFFFF4000  }
0x1d: {  	v3 =	vld [tilespmem:$0x0];
	_ =	sdelay $0x4  }
0x1e: {  	v4 =	vshrl.u32 v3, $0x3  }
0x1f: {  	v4 =	vmul.u32 $0x30, v4  }
0x20: {  	v3 =	vand.u32 $0x7, v3  }
0x21: {  	v3 =	vor.u32 v3, v4  }
0x22: {  	v4 =	vperm.xlane v3, v0;
	_ =	sdelay $0x1  }
0x23: {  	v4 =	vadd.s32 v1, v4;
	_ =	sdelay $0x3  }
0x24: {  	v3 =	vperm.xlane v3, v2  }
0x25: {  	[hbm4b:s3+s2] =	stream.indirect_vreg.scatter [tilespmem:s7], [sflag:$0x2], $0x80, v4, vm0, $0xb8;
	[tilespmem:$0xC080] =	vst v63  }
0x26: {  	s10 =	rddreg [dreg:$0x6];
	v3 =	vadd.s32 v1, v3  }
0x27: {  	[hbm4b:s4+s2] =	stream.indirect_vreg.scatter [tilespmem:s10], [sflag:$0x2], $0x80, v4, vm0, $0xb8;
	[tilespmem:$0xC080] =	vst v63  }
0x28: {  	s10 =	simm.s32 $0x1080  }
0x29: {  	[hbm4b:s5+s2] =	stream.indirect_vreg.scatter [tilespmem:s10], [sflag:$0x2], $0x80, v4, vm0, $0xb8;
	[tilespmem:$0xC080] =	vst v63  }
0x2a: {  	_ = 	snop  }
0x2b: {  	[hbm4b:s3+s2] =	stream.indirect_vreg.scatter [tilespmem:s11], [sflag:$0x2], $0x80, v3, vm0, $0xb8;
	[tilespmem:$0xC080] =	vst v63  }
0x2c: {  	_ = 	snop  }
0x2d: {  	[hbm4b:s4+s2] =	stream.indirect_vreg.scatter [tilespmem:s12], [sflag:$0x2], $0x80, v3, vm0, $0xb8;
	[tilespmem:$0xC080] =	vst v63  }
0x2e: {  	_ = 	snop  }
0x2f: {  	[hbm4b:s5+s2] =	stream.indirect_vreg.scatter [tilespmem:s13], [sflag:$0x2], $0x80, v3, vm0, $0xb8;
	[tilespmem:$0xC080] =	vst v63  }
0x30: {  	v3 =	vld [tilespmem:$0x10];
	_ =	sdelay $0x4  }
0x31: {  	v61 =	vshrl.u32 v3, $0x3  }
0x32: {  	v4 =	vmul.u32 $0x30, v61  }
0x33: {  	v3 =	vand.u32 $0x7, v3  }
0x34: {  	v3 =	vor.u32 v3, v4  }
0x35: {  	v4 =	vperm.xlane v3, v0;
	_ =	sdelay $0x1  }
0x36: {  	v4 =	vadd.s32 v1, v4;
	_ =	sdelay $0x3  }
0x37: {  	v3 =	vperm.xlane v3, v2  }
0x38: {  	[hbm4b:s3+s2] =	stream.indirect_vreg.scatter [tilespmem:s14], [sflag:$0x2], $0x80, v4, vm0, $0xb8;
	[tilespmem:$0xC080] =	vst v63  }
0x39: {  	v3 =	vadd.s32 v1, v3  }
0x3a: {  	[hbm4b:s4+s2] =	stream.indirect_vreg.scatter [tilespmem:s15], [sflag:$0x2], $0x80, v4, vm0, $0xb8;
	[tilespmem:$0xC080] =	vst v63  }
0x3b: {  	_ = 	snop  }
0x3c: {  	[hbm4b:s5+s2] =	stream.indirect_vreg.scatter [tilespmem:s16], [sflag:$0x2], $0x80, v4, vm0, $0xb8;
	[tilespmem:$0xC080] =	vst v63  }
0x3d: {  	_ = 	snop  }
0x3e: {  	[hbm4b:s3+s2] =	stream.indirect_vreg.scatter [tilespmem:s17], [sflag:$0x2], $0x80, v3, vm0, $0xb8;
	[tilespmem:$0xC080] =	vst v63  }
0x3f: {  	_ = 	snop  }
0x40: {  	[hbm4b:s4+s2] =	stream.indirect_vreg.scatter [tilespmem:s18], [sflag:$0x2], $0x80, v3, vm0, $0xb8;
	[tilespmem:$0xC080] =	vst v63  }
0x41: {  	_ = 	snop  }
0x42: {  	[hbm4b:s5+s2] =	stream.indirect_vreg.scatter [tilespmem:s19], [sflag:$0x2], $0x80, v3, vm0, $0xb8;
	[tilespmem:$0xC080] =	vst v63  }
0x43: {  	v3 =	vld [tilespmem:$0x20];
	_ =	sdelay $0x4  }
0x44: {  	v62 =	vshrl.u32 v3, $0x3  }
0x45: {  	v4 =	vmul.u32 $0x30, v62  }
0x46: {  	v3 =	vand.u32 $0x7, v3  }
0x47: {  	v3 =	vor.u32 v3, v4  }
0x48: {  	v4 =	vperm.xlane v3, v0;
	_ =	sdelay $0x1  }
0x49: {  	v4 =	vadd.s32 v1, v4;
	_ =	sdelay $0x3  }
0x4a: {  	v3 =	vperm.xlane v3, v2  }
0x4b: {  	[hbm4b:s3+s2] =	stream.indirect_vreg.scatter [tilespmem:s20], [sflag:$0x2], $0x80, v4, vm0, $0xb8;
	[tilespmem:$0xC080] =	vst v63  }
0x4c: {  	v3 =	vadd.s32 v1, v3  }
0x4d: {  	[hbm4b:s4+s2] =	stream.indirect_vreg.scatter [tilespmem:s21], [sflag:$0x2], $0x80, v4, vm0, $0xb8;
	[tilespmem:$0xC080] =	vst v63  }
0x4e: {  	_ = 	snop  }
0x4f: {  	[hbm4b:s5+s2] =	stream.indirect_vreg.scatter [tilespmem:s22], [sflag:$0x2], $0x80, v4, vm0, $0xb8;
	[tilespmem:$0xC080] =	vst v63  }
0x50: {  	_ = 	snop  }
0x51: {  	[hbm4b:s3+s2] =	stream.indirect_vreg.scatter [tilespmem:s23], [sflag:$0x2], $0x80, v3, vm0, $0xb8;
	[tilespmem:$0xC080] =	vst v63  }
0x52: {  	_ = 	snop  }
0x53: {  	[hbm4b:s4+s2] =	stream.indirect_vreg.scatter [tilespmem:s24], [sflag:$0x2], $0x80, v3, vm0, $0xb8;
	[tilespmem:$0xC080] =	vst v63  }
0x54: {  	_ = 	snop  }
0x55: {  	[hbm4b:s5+s2] =	stream.indirect_vreg.scatter [tilespmem:s25], [sflag:$0x2], $0x80, v3, vm0, $0xb8;
	[tilespmem:$0xC080] =	vst v63  }
0x56: {  	v3 =	vld [tilespmem:$0x30];
	_ =	sdelay $0x4  }
0x57: {  	v63 =	vshrl.u32 v3, $0x3  }
0x58: {  	v4 =	vmul.u32 $0x30, v63  }
0x59: {  	v3 =	vand.u32 $0x7, v3  }
0x5a: {  	v3 =	vor.u32 v3, v4  }
0x5b: {  	v4 =	vperm.xlane v3, v0;
	_ =	sdelay $0x1  }
0x5c: {  	v4 =	vadd.s32 v1, v4;
	_ =	sdelay $0x3  }
0x5d: {  	v3 =	vperm.xlane v3, v2  }
0x5e: {  	[hbm4b:s3+s2] =	stream.indirect_vreg.scatter [tilespmem:s26], [sflag:$0x2], $0x80, v4, vm0, $0xb8;
	[tilespmem:$0xC080] =	vst v63  }
0x5f: {  	v3 =	vadd.s32 v1, v3  }
0x60: {  	[hbm4b:s4+s2] =	stream.indirect_vreg.scatter [tilespmem:s28], [sflag:$0x2], $0x80, v4, vm0, $0xb8;
	[tilespmem:$0xC080] =	vst v63  }
0x61: {  	_ = 	snop  }
0x62: {  	[hbm4b:s5+s2] =	stream.indirect_vreg.scatter [tilespmem:s29], [sflag:$0x2], $0x80, v4, vm0, $0xb8;
	[tilespmem:$0xC080] =	vst v63  }
0x63: {  	_ = 	snop  }
0x64: {  	[hbm4b:s3+s2] =	stream.indirect_vreg.scatter [tilespmem:s30], [sflag:$0x2], $0x80, v3, vm0, $0xb8;
	[tilespmem:$0xC080] =	vst v63  }
0x65: {  	p0 =	sne.s32 s6, $0x1  }
0x66: {  	[hbm4b:s4+s2] =	stream.indirect_vreg.scatter [tilespmem:s31], [sflag:$0x2], $0x80, v3, vm0, $0xb8;
	[tilespmem:$0xC080] =	vst v63  }
.Ltmp0:
0x67: {  	_ = 	snop;
	(pc) =	sbr.rel @p0 .LBB2_1-.Ltmp0, $4  }
0x68: {  	[hbm4b:s5+s2] =	stream.indirect_vreg.scatter [tilespmem:s1], [sflag:$0x2], $0x80, v3, vm0, $0xb8;
	[tilespmem:$0xC080] =	vst v63  }
0x69: {  	_ =	swait.ge [sflag:s9], $0xC000  }
0x6a: {  	[sflag:s9] =	ssyncset.done $0x0  }
0x6b: {  	s6 =	sadd.s32 $0xFFFFFFFF, s6;
	[sflag:s9] =	ssyncadd.s32 $0xFFFF4000  }
0x6c: {  	_ =	sfence.sel $0x180000  }
0x6d: {  	[bflag:$0x0] =	sbarrier.arrive $0xFFFF  }
0x6e: {  	_ =	strace $0x90000047  }
0x6f: {  	s0 =	stileid.u32;
	[bflag:$0x2] =	sbarrier.arrive $0xFFFF  }
0x70: {  	p0 =	sne.s32 s0, $0x0;
	s0 =	rddreg [dreg:$0x3]  }
0x71: {  	s0 =	sadd.s32 @!p0 $0x100000, s0  }
0x72: {  	[sflag:s0] =	ssyncadd.tile.s32 @!p0 $0x1;
	_ =	shalt  }
.Lfunc_end2:
_tile_overlayer_lowered:
.L_overlay_start_2:
0x73: {  	(tag) =	ssettag $0x2  }
0x74: {  	s0 =	rddreg [dreg:$0x0];
	s2 =	stileid.u32  }
0x75: {  	s1 =	rddreg [dreg:$0x1];
	p0 =	sne.s32 s2, $0x0  }
0x76: {  	s3 =	rddreg [dreg:$0x2];
	[bflag:$0x3] =	sbarrier.arrive $0xFFFF;
	s2 =	simm.s32 @!p0 $0x1C03  }
0x77: {  	[timem:s3], [sflag:s2] =	dma.local @!p0 [hbm:s0], s1  }
0x78: {  	s0 =	simm.s32 @!p0 $0x3  }
0x79: {  	_ =	swait.ge @!p0 [sflag:s0], s1  }
0x7a: {  	s1 =	ssub.s32 @!p0 $0x0, s1;
	[sflag:s0] =	ssyncset.done @!p0 $0x0  }
0x7b: {  	[sflag:s0] =	ssyncadd.s32 @!p0 s1  }
0x7c: {  	[bflag:$0x3] =	sbarrier.arrive $0xFFFF  }
0x7d: {  	_ =	shalt  }

// kernel: kernel.9.cloned.1.call-start
scs
__scs_entry_jumppad:
0x0: {  	(pc) =	sbr.rel $0x88, $3  }
0x1: {  	(tag) =	ssettag $0x0;
	lr =	simm.s32 $0x1  }
0x2: {  	[smem:$0x3F9C] =	sst lr;
	_ =	strace $0xD0000000  }
0x3: {  	_ = 	snop  }
0x4: {  	_ = 	snop  }
0x5: {  	_ = 	snop  }
0x6: {  	_ = 	snop  }
0x7: {  	_ = 	snop  }
__scs_overlays_trampoline_lowered:
0x8: {  	[smem:$0x3FAB] =	sst s0  }
0x9: {  	[smem:$0x3FAC] =	sst s1  }
0xa: {  	[smem:$0x3FAD] =	sst s2  }
0xb: {  	[smem:$0x3FAE] =	sst s3  }
0xc: {  	[smem:$0x3FAF] =	sst s4  }
0xd: {  	[smem:$0x3FB0] =	sst s5  }
0xe: {  	[smem:$0x3FB1] =	sst s6  }
0xf: {  	[smem:$0x3FB2] =	sst s7  }
0x10: {  	[smem:$0x3FB3] =	sst s8  }
0x11: {  	[smem:$0x3FB4] =	sst s9;
	s0 =	simm.s32 @!p0 $0x0  }
0x12: {  	s1 =	sld [smem:$0x3F9A];
	s0 =	simm.s32 @p0 $0x1  }
0x13: {  	[smem:$0x3FB5] =	sst s0;
	s0 =	simm.s32 @!p1 $0x0  }
0x14: {  	s2 =	sld [smem:$0x3F99];
	s0 =	simm.s32 @p1 $0x1  }
0x15: {  	[smem:$0x3FB6] =	sst s0;
	s0 =	simm.s32 @!p2 $0x0  }
0x16: {  	s3 =	sld [smem:$0x3FDB];
	s0 =	simm.s32 @p2 $0x1  }
0x17: {  	s4 =	simm.s32 $0x1BF5;
	[smem:$0x3FB8] =	sst s0  }
0x18: {  	s0 =	sld [smem:$0x3F9B];
	_ =	swait.ge [sflag:s4], $0x0  }
0x19: {  	s7 =	sld [smem:$0x3F9C]  }
0x1a: {  	s8 =	sadd.s32 $0xFFFFE003, lr  }
0x1b: {  	s9 =	sadd.s32 $0xFFFFFEF7, lr;
	s5 =	simm.s32 $0xFFFFFFFF;
	p2 =	slt.u32 s8, $0xFFFFF086  }
0x1c: {  	p1 =	slt.u32 s9, $0xF7A;
	s5 =	simm.s32 @!p2 $0x0  }
0x1d: {  	s5 =	simm.s32 @p1 $0x1;
	p0 =	seq.s32 s7, s2  }
0x1e: {  	s7 =	smul.u32 @!p0 $0xF7A, s2;
	p2 =	seq.s32 @!p0 s5, $0x0  }
0x1f: {  	s9 =	smul.u32 $0xF7A, s1;
	s8 =	simm.s32 @!p0 $0x1BF5;
	p2 =	por !p2, p0  }
0x20: {  	[sflag:s8] =	ssyncset.s32 @!p0 $0xFFFFF086;
	s6 =	sadd.s32 @!p0 s3, s7;
	s7 =	simm.s32 @!p0 $0x108  }
0x21: {  	s3 =	sadd.s32 s3, s9;
	s6 =	sadd.s32 @!p0 $0x88, s6;
	s7 =	simm.s32 @p2 $0x1082  }
0x22: {  	[simem:s7], [sflag:s8] =	dma.local @!p0 [hbm:s6], $0xF7A  }
0x23: {  	s9 =	sor.u32 $0xD0000000, s2;
	s6 =	simm.s32 $0x108;
	_ =	swait.ge @!p0 [sflag:s8], $0x0  }
0x24: {  	s3 =	sadd.s32 $0x88, s3;
	s6 =	simm.s32 @!p1 $0x1082;
	[sflag:s4] =	ssyncset.s32 $0xFFFFF086  }
0x25: {  	[simem:s6], [sflag:s4] =	dma.local [hbm:s3], $0xF7A  }
0x26: {  	[smem:$0x3F9C] =	sst s1;
	(tag) =	ssettag s2;
	_ =	strace s9  }
0x27: {  	s1 =	sld [smem:$0x3FAC]  }
0x28: {  	s2 =	sld [smem:$0x3FAD]  }
0x29: {  	s4 =	sld [smem:$0x3FAF]  }
0x2a: {  	p0 =	seq.s32 s5, $0x0;
	s5 =	sld [smem:$0x3FB0]  }
0x2b: {  	s6 =	sld [smem:$0x3FB1]  }
0x2c: {  	s7 =	sld [smem:$0x3FB2]  }
0x2d: {  	s3 =	simm.s32 $0x108;
	s8 =	sld [smem:$0x3FB3]  }
0x2e: {  	s3 =	simm.s32 @!p0 $0x1082;
	s9 =	sld [smem:$0x3FB4]  }
0x2f: {  	lr =	sadd.s32 s0, s3;
	s0 =	sld [smem:$0x3FAB]  }
0x30: {  	s3 =	sld [smem:$0x3FAE]  }
0x31: {  	[smem:$0x3FB7] =	sst s10  }
0x32: {  	s10 =	sld [smem:$0x3FB5];
	_ =	sdelay $0x3  }
0x33: {  	p0 =	seq.s32 s10, $0x1;
	s10 =	sld [smem:$0x3FB7];
	_ =	sdelay $0x3  }
0x34: {  	[smem:$0x3FB7] =	sst s10  }
0x35: {  	s10 =	sld [smem:$0x3FB6];
	_ =	sdelay $0x3  }
0x36: {  	p1 =	seq.s32 s10, $0x1;
	s10 =	sld [smem:$0x3FB7];
	_ =	sdelay $0x3  }
0x37: {  	[smem:$0x3FB7] =	sst s10  }
0x38: {  	s10 =	sld [smem:$0x3FB8]  }
0x39: {  	_ = 	snop;
	(pc) =	sbr.ind lr, $3  }
0x3a: {  	_ = 	snop  }
0x3b: {  	_ = 	snop  }
0x3c: {  	p2 =	seq.s32 s10, $0x1;
	s10 =	sld [smem:$0x3FB7]  }
0x3d: {  	_ =	shalt  }
0x3e: {  	_ =	shalt  }
0x3f: {  	_ =	shalt  }
0x40: {  	_ =	shalt  }
0x41: {  	_ =	shalt  }
0x42: {  	_ =	shalt  }
0x43: {  	_ =	shalt  }
0x44: {  	_ =	shalt  }
0x45: {  	_ =	shalt  }
0x46: {  	_ =	shalt  }
0x47: {  	_ =	shalt  }
0x48: {  	_ =	shalt  }
0x49: {  	_ =	shalt  }
0x4a: {  	_ =	shalt  }
0x4b: {  	_ =	shalt  }
0x4c: {  	_ =	shalt  }
0x4d: {  	_ =	shalt  }
0x4e: {  	_ =	shalt  }
0x4f: {  	_ =	shalt  }
0x50: {  	_ =	shalt  }
0x51: {  	_ =	shalt  }
0x52: {  	_ =	shalt  }
0x53: {  	_ =	shalt  }
0x54: {  	_ =	shalt  }
0x55: {  	_ =	shalt  }
0x56: {  	_ =	shalt  }
0x57: {  	_ =	shalt  }
0x58: {  	_ =	shalt  }
0x59: {  	_ =	shalt  }
0x5a: {  	_ =	shalt  }
0x5b: {  	_ =	shalt  }
0x5c: {  	_ =	shalt  }
0x5d: {  	_ =	shalt  }
0x5e: {  	_ =	shalt  }
0x5f: {  	_ =	shalt  }
0x60: {  	_ =	shalt  }
0x61: {  	_ =	shalt  }
0x62: {  	_ =	shalt  }
0x63: {  	_ =	shalt  }
0x64: {  	_ =	shalt  }
0x65: {  	_ =	shalt  }
0x66: {  	_ =	shalt  }
0x67: {  	_ =	shalt  }
0x68: {  	_ =	shalt  }
0x69: {  	_ =	shalt  }
0x6a: {  	_ =	shalt  }
0x6b: {  	_ =	shalt  }
0x6c: {  	_ =	shalt  }
0x6d: {  	_ =	shalt  }
0x6e: {  	_ =	shalt  }
0x6f: {  	_ =	shalt  }
0x70: {  	_ =	shalt  }
0x71: {  	_ =	shalt  }
0x72: {  	_ =	shalt  }
0x73: {  	_ =	shalt  }
0x74: {  	_ =	shalt  }
0x75: {  	_ =	shalt  }
0x76: {  	_ =	shalt  }
0x77: {  	_ =	shalt  }
0x78: {  	_ =	shalt  }
0x79: {  	_ =	shalt  }
0x7a: {  	_ =	shalt  }
0x7b: {  	_ =	shalt  }
0x7c: {  	_ =	shalt  }
0x7d: {  	_ =	shalt  }
0x7e: {  	_ =	shalt  }
0x7f: {  	_ =	shalt  }
0x80: {  	_ =	shalt  }
0x81: {  	_ =	shalt  }
0x82: {  	_ =	shalt  }
0x83: {  	_ =	shalt  }
0x84: {  	_ =	shalt  }
0x85: {  	_ =	shalt  }
0x86: {  	_ =	shalt  }
0x87: {  	_ =	shalt  }
.Lfunc_end0:
.L_simem_size_0:
called_computation.1_lowered:
.L_overlay_start_0:
0x88: {  	s2 =	sld [smem:$0x3FD9]  }
0x89: {  	s3 =	sld [smem:$0x3FFE];
	_ =	sdelay $0x1  }
0x8a: {  	s1 =	srdreg.scid  }
0x8b: {  	s0 =	sand.u32 $0x1, s1  }
0x8c: {  	s17 =	sshll.u32 s0, $0xA;
	s2 =	sadd.s32 s3, s2  }
0x8d: {  	s2 =	sadd.s32 s2, s17  }
0x8e: {  	[smem:$0x3FC3] =	sst s2  }
0x8f: {  	_ = 	snop  }
0x90: {  	s2 =	sld [smem:$0x3FD0];
	(tm) =	ssettm $0x1  }
0x91: {  	s18 =	sld [smem:$0x3FFB];
	_ =	sdelay $0x3  }
0x92: {  	_ =	strace s18  }
0x93: {  	s3 =	sld [smem:$0x3FFC];
	_ =	sdelay $0x3  }
0x94: {  	_ =	strace s3  }
0x95: {  	s3 =	sld [smem:$0x3FFD];
	_ =	sdelay $0x3  }
0x96: {  	_ =	strace s3  }
0x97: {  	_ =	strace $0x8FFFFFFF  }
0x98: {  	s19 =	sld [smem:$0x3FDB];
	_ =	sdelay $0x1  }
0x99: {  	s4 =	simm.s32 $_scs_section_size  }
0x9a: {  	s5 =	simm.s32 $_size__tile_overlayer_lowered;
	s6 =	simm.s32 $_tile_overlayer_lowered  }
0x9b: {  	s22 =	simm.s32 $0x1BFF;
	s21 =	sshll.u32 s6, $0x1;
	s3 =	sadd.s32 s4, s19  }
0x9c: {  	s7 =	simm.s32 $0x0;
	s20 =	sshll.u32 s5, $0x1;
	s5 =	sadd.s32 s21, s3  }
0x9d: {  	[timem:s7], [sflag:s22] =	dma.local [hbm:s5], s20  }
0x9e: {  	_ =	swait.ge [sflag:s22], s20  }
0x9f: {  	s4 =	ssub.s32 $0x0, s20;
	[sflag:s22] =	ssyncset.done $0x0  }
0xa0: {  	[sflag:s22] =	ssyncadd.s32 s4;
	_ =	sdelay $0x1  }
0xa1: {  	s23 =	simm.s32 $0x1B8B  }
0xa2: {  	_ =	swait.ge [sflag:s23], $0x1  }
0xa3: {  	[sflag:s23] =	ssyncset.done $0x0  }
0xa4: {  	s25 =	simm.s32 $0x1B8E;
	s24 =	sld [smem:$0x3FFE];
	[sflag:s23] =	ssyncadd.s32 $0xFFFFFFFF  }
0xa5: {  	s26 =	simm.s32 $execute0_lowered;
	[smem:$0x3FD2] =	sst s25  }
0xa6: {  	s5 =	sshll.u32 s26, $0x1;
	_ =	strace $0x80000049;
	[dreg:$0x1] =	wrdreg $0xFFFFFFFF  }
0xa7: {  	s28 =	simm.s32 $_size_execute0_lowered;
	s3 =	sadd.s32 s3, s5;
	[dreg:$0x0] =	wrdreg $0x0  }
0xa8: {  	s5 =	sshll.u32 s28, $0x1;
	[dreg:$0x2] =	wrdreg s3  }
0xa9: {  	[dreg:$0x3] =	wrdreg s5  }
0xaa: {  	[dreg:$0x4] =	wrdreg $0xC0  }
0xab: {  	_ =	task [dreg:s7], $0x5FFFF  }
0xac: {  	[dreg:$0x1] =	wrdreg $0xFFFFFFFF  }
0xad: {  	[dreg:$0x0] =	wrdreg $0x60  }
0xae: {  	[dreg:$0x2] =	wrdreg s24  }
0xaf: {  	[dreg:$0x3] =	wrdreg s2  }
0xb0: {  	[dreg:$0x4] =	wrdreg $0x9  }
0xb1: {  	_ =	task.clear_ibuf [dreg:s7], $0x5FFFF;
	_ =	strace $0x90000049  }
0xb2: {  	s29 =	simm.s32 $0x9;
	_ =	strace $0x8000004B  }
0xb3: {  	_ =	swait.ge [sflag:s29], $0x1  }
0xb4: {  	[sflag:s29] =	ssyncadd.s32 $0xFFFFFFFF  }
0xb5: {  	_ =	strace $0x9000004B  }
0xb6: {  	_ =	sfence  }
0xb7: {  	s30 =	sld [smem:$0x0];
	_ =	sdelay $0x2  }
0xb8: {  	s31 =	sshll.u32 s1, $0xD;
	s1 =	sshrl.u32 s1, $0x2  }
0xb9: {  	s3 =	sand.u32 $0x4000, s31;
	s1 =	sadd.s32 s1, s30  }
0xba: {  	s0 =	sor.u32 s3, s0;
	s1 =	sshll.u32 s1, $0x11  }
0xbb: {  	s0 =	sor.u32 s1, s0  }
0xbc: {  	s0 =	sadd.s32 $0x8F2B, s0  }
0xbd: {  	[sflag:s0] =	ssyncadd.remote.s32 $0x1  }
0xbe: {  	_ =	sfence.sel $0xFFFF  }
0xbf: {  	[dreg:$0x0] =	wrdreg $0xFFFFFFFF;
	(pc) =	sbr.abs _section_cstart, $3  }
0xc0: {  	[dreg:$0x1] =	wrdreg $0xFFFFFFFF  }
0xc1: {  	_ =	task.clear_ibuf [dreg:s7], $0x2FFFF;
	_ =	strace $0x9FFFFFFF  }
0xc2: {  	(tm) =	ssettm $0x7FFFFFFF  }
0xc3: {  	_ =	shalt  }
tec
execute0_lowered:
.L_overlay_start_1:
0x0: {  	(tag) =	ssettag $0x1  }
0x1: {  	s0 =	rddreg [dreg:$0x0]  }
0x2: {  	s1 =	rddreg [dreg:$0x1];
	s3 =	srdreg.scid;
	s2 =	simm.s32 $0x0  }
0x3: {  	s5 =	stileid.u32;
	s13 =	simm.s32 $0x1;
	s14 =	simm.s32 $0x2100  }
0x4: {  	s28 =	simm.s32 $0x8100;
	s30 =	simm.s32 $0x9100;
	s31 =	simm.s32 $0x9900  }
0x5: {  	s15 =	simm.s32 $0xB900;
	s16 =	simm.s32 $0xC100;
	s17 =	simm.s32 $0xC900  }
0x6: {  	s18 =	simm.s32 $0xD100;
	s19 =	simm.s32 $0xD900;
	s20 =	simm.s32 $0x3  }
0x7: {  	s21 =	simm.s32 $0x0;
	s4 =	sand.u32 $0x1, s3;
	[smem:$0x7FF] =	sst s2  }
0x8: {  	s26 =	sshll.u32 s5, $0x7;
	s3 =	sadd.s32 $0x1C00, s0;
	s6 =	sadd.s32 $0x1800, s0  }
0x9: {  	s29 =	sshll.u32 s4, $0x6;
	_ =	strace $0x8000004A;
	s4 =	ssub.s32 $0x2, s4  }
0xa: {  	s5 =	sor.u32 s29, s26;
	s8 =	sshrl.u32 s4, $0x1;
	s26 =	simm.s32 $0x2  }
0xb: {  	s7 =	sshll.u32 s5, $0x4;
	s5 =	sshrl.u32 s5, $0x3;
	s11 =	ssub.s32 s4, s8  }
0xc: {  	s8 =	sadd.s32 $0x1E00, s0;
	s7 =	sadd.s32 s7, s0;
	s9 =	sor.u32 $0x4, s5  }
0xd: {  	s10 =	smul.u32 $0x300, s5;
	s4 =	sadd.s32 s6, s5;
	s11 =	smax.u32 s11, $0x1  }
0xe: {  	v2 =	vlaneseq.u32;
	s12 =	smul.u32 $0x300, s9;
	s5 =	sadd.s32 s6, s9;
	s6 =	sadd.s32 $0x61C00, s7  }
0xf: {  	vm0 =	vmmov $0xffff;
	v1 =	vshrl.u32 v2, $0x3;
	s7 =	sadd.s32 $0x1D00, s0;
	s0 =	simm.s32 $0xA100;
	s9 =	sadd.s32 s1, s10  }
0x10: {  	v0 =	vand.u32 $0x7, v2;
	v2 =	vor.u32 $0x8, v2;
	v1 =	vmul.u32 $0x8, v1;
	s10 =	sadd.s32 s1, s12;
	s1 =	simm.s32 $0xA900;
	s12 =	simm.s32 $0xB100  }
.LBB2_1:
0x11: {  	[tilespmem:s2], [sflag:$0x1] =	stream.linear.gather [hbm4b:s4+s2], $0x20, $0x38;
	[tilespmem:$0xE100] =	vst v63  }
0x12: {  	s22 =	simm.s32 $0x80  }
0x13: {  	[tilespmem:s22], [sflag:$0x2] =	stream.linear.gather [hbm4b:s5+s2], $0x20, $0x38;
	[tilespmem:$0xE100] =	vst v63  }
0x14: {  	s22 =	simm.s32 $0x100  }
0x15: {  	[tilespmem:s22], [sflag:$0x3] =	stream.linear.gather [hbm4b:s6+s2], $0x2000, $0x38;
	[tilespmem:$0xE100] =	vst v63  }
0x16: {  	_ =	swait.ge [sflag:s13], $0x20  }
0x17: {  	[sflag:s13] =	ssyncset.done $0x0  }
0x18: {  	[sflag:s13] =	ssyncadd.s32 $0xFFFFFFE0  }
0x19: {  	v3 =	vld [tilespmem:$0x0];
	_ =	sdelay $0x4  }
0x1a: {  	v4 =	vshrl.u32 v3, $0x3  }
0x1b: {  	v4 =	vmul.u32 $0x30, v4  }
0x1c: {  	v3 =	vand.u32 $0x7, v3  }
0x1d: {  	v3 =	vor.u32 v3, v4  }
0x1e: {  	v4 =	vperm.xlane v3, v0;
	_ =	sdelay $0x1  }
0x1f: {  	v4 =	vadd.s32 v1, v4;
	_ =	sdelay $0x3  }
0x20: {  	v3 =	vperm.xlane v3, v2  }
0x21: {  	[tilespmem:s14], [sflag:$0x1] =	stream.indirect_vreg.gather [hbm4b:s3+s2], $0x80, v4, vm0, $0xb8;
	[tilespmem:$0xE100] =	vst v63  }
0x22: {  	s23 =	simm.s32 $0x2900;
	v3 =	vadd.s32 v1, v3  }
0x23: {  	[tilespmem:s23], [sflag:$0x1] =	stream.indirect_vreg.gather [hbm4b:s7+s2], $0x80, v4, vm0, $0xb8;
	[tilespmem:$0xE100] =	vst v63  }
0x24: {  	s25 =	simm.s32 $0x3100  }
0x25: {  	[tilespmem:s25], [sflag:$0x1] =	stream.indirect_vreg.gather [hbm4b:s8+s2], $0x80, v4, vm0, $0xb8;
	[tilespmem:$0xE100] =	vst v63  }
0x26: {  	s29 =	simm.s32 $0x3900  }
0x27: {  	[tilespmem:s29], [sflag:$0x1] =	stream.indirect_vreg.gather [hbm4b:s3+s2], $0x80, v3, vm0, $0xb8;
	[tilespmem:$0xE100] =	vst v63  }
0x28: {  	s24 =	simm.s32 $0x4100  }
0x29: {  	[tilespmem:s24], [sflag:$0x1] =	stream.indirect_vreg.gather [hbm4b:s7+s2], $0x80, v3, vm0, $0xb8;
	[tilespmem:$0xE100] =	vst v63  }
0x2a: {  	s25 =	simm.s32 $0x4900  }
0x2b: {  	[tilespmem:s25], [sflag:$0x1] =	stream.indirect_vreg.gather [hbm4b:s8+s2], $0x80, v3, vm0, $0xb8;
	[tilespmem:$0xE100] =	vst v63  }
0x2c: {  	v3 =	vld [tilespmem:$0x10];
	_ =	sdelay $0x4  }
0x2d: {  	v61 =	vshrl.u32 v3, $0x3  }
0x2e: {  	v4 =	vmul.u32 $0x30, v61  }
0x2f: {  	v3 =	vand.u32 $0x7, v3  }
0x30: {  	v3 =	vor.u32 v3, v4  }
0x31: {  	v4 =	vperm.xlane v3, v0;
	_ =	sdelay $0x1  }
0x32: {  	v4 =	vadd.s32 v1, v4;
	_ =	sdelay $0x3  }
0x33: {  	s29 =	simm.s32 $0x5100;
	v3 =	vperm.xlane v3, v2  }
0x34: {  	[tilespmem:s29], [sflag:$0x1] =	stream.indirect_vreg.gather [hbm4b:s3+s2], $0x80, v4, vm0, $0xb8;
	[tilespmem:$0xE100] =	vst v63  }
0x35: {  	s24 =	simm.s32 $0x5900;
	v3 =	vadd.s32 v1, v3  }
0x36: {  	[tilespmem:s24], [sflag:$0x1] =	stream.indirect_vreg.gather [hbm4b:s7+s2], $0x80, v4, vm0, $0xb8;
	[tilespmem:$0xE100] =	vst v63  }
0x37: {  	s25 =	simm.s32 $0x6100  }
0x38: {  	[tilespmem:s25], [sflag:$0x1] =	stream.indirect_vreg.gather [hbm4b:s8+s2], $0x80, v4, vm0, $0xb8;
	[tilespmem:$0xE100] =	vst v63  }
0x39: {  	s29 =	simm.s32 $0x6900  }
0x3a: {  	[tilespmem:s29], [sflag:$0x1] =	stream.indirect_vreg.gather [hbm4b:s3+s2], $0x80, v3, vm0, $0xb8;
	[tilespmem:$0xE100] =	vst v63  }
0x3b: {  	s24 =	simm.s32 $0x7100  }
0x3c: {  	[tilespmem:s24], [sflag:$0x1] =	stream.indirect_vreg.gather [hbm4b:s7+s2], $0x80, v3, vm0, $0xb8;
	[tilespmem:$0xE100] =	vst v63  }
0x3d: {  	s25 =	simm.s32 $0x7900  }
0x3e: {  	[tilespmem:s25], [sflag:$0x1] =	stream.indirect_vreg.gather [hbm4b:s8+s2], $0x80, v3, vm0, $0xb8;
	[tilespmem:$0xE100] =	vst v63  }
0x3f: {  	_ =	swait.ge [sflag:s26], $0x20  }
0x40: {  	[sflag:s26] =	ssyncset.done $0x0  }
0x41: {  	[sflag:s26] =	ssyncadd.s32 $0xFFFFFFE0  }
0x42: {  	v3 =	vld [tilespmem:$0x80];
	_ =	sdelay $0x4  }
0x43: {  	v62 =	vshrl.u32 v3, $0x3  }
0x44: {  	v4 =	vmul.u32 $0x30, v62  }
0x45: {  	v3 =	vand.u32 $0x7, v3  }
0x46: {  	v3 =	vor.u32 v3, v4  }
0x47: {  	v4 =	vperm.xlane v3, v0;
	_ =	sdelay $0x1  }
0x48: {  	v4 =	vadd.s32 v1, v4;
	_ =	sdelay $0x3  }
0x49: {  	v3 =	vperm.xlane v3, v2  }
0x4a: {  	[tilespmem:s28], [sflag:$0x2] =	stream.indirect_vreg.gather [hbm4b:s3+s2], $0x80, v4, vm0, $0xb8;
	[tilespmem:$0xE100] =	vst v63  }
0x4b: {  	s29 =	simm.s32 $0x8900;
	v3 =	vadd.s32 v1, v3  }
0x4c: {  	[tilespmem:s29], [sflag:$0x2] =	stream.indirect_vreg.gather [hbm4b:s7+s2], $0x80, v4, vm0, $0xb8;
	[tilespmem:$0xE100] =	vst v63  }
0x4d: {  	_ = 	snop  }
0x4e: {  	[tilespmem:s30], [sflag:$0x2] =	stream.indirect_vreg.gather [hbm4b:s8+s2], $0x80, v4, vm0, $0xb8;
	[tilespmem:$0xE100] =	vst v63  }
0x4f: {  	_ = 	snop  }
0x50: {  	[tilespmem:s31], [sflag:$0x2] =	stream.indirect_vreg.gather [hbm4b:s3+s2], $0x80, v3, vm0, $0xb8;
	[tilespmem:$0xE100] =	vst v63  }
0x51: {  	_ = 	snop  }
0x52: {  	[tilespmem:s0], [sflag:$0x2] =	stream.indirect_vreg.gather [hbm4b:s7+s2], $0x80, v3, vm0, $0xb8;
	[tilespmem:$0xE100] =	vst v63  }
0x53: {  	_ = 	snop  }
0x54: {  	[tilespmem:s1], [sflag:$0x2] =	stream.indirect_vreg.gather [hbm4b:s8+s2], $0x80, v3, vm0, $0xb8;
	[tilespmem:$0xE100] =	vst v63  }
0x55: {  	v3 =	vld [tilespmem:$0x90];
	_ =	sdelay $0x4  }
0x56: {  	v63 =	vshrl.u32 v3, $0x3  }
0x57: {  	v4 =	vmul.u32 $0x30, v63  }
0x58: {  	v3 =	vand.u32 $0x7, v3  }
0x59: {  	v3 =	vor.u32 v3, v4  }
0x5a: {  	v4 =	vperm.xlane v3, v0;
	_ =	sdelay $0x1  }
0x5b: {  	v4 =	vadd.s32 v1, v4;
	_ =	sdelay $0x3  }
0x5c: {  	v3 =	vperm.xlane v3, v2  }
0x5d: {  	[tilespmem:s12], [sflag:$0x2] =	stream.indirect_vreg.gather [hbm4b:s3+s2], $0x80, v4, vm0, $0xb8;
	[tilespmem:$0xE100] =	vst v63  }
0x5e: {  	v3 =	vadd.s32 v1, v3  }
0x5f: {  	[tilespmem:s15], [sflag:$0x2] =	stream.indirect_vreg.gather [hbm4b:s7+s2], $0x80, v4, vm0, $0xb8;
	[tilespmem:$0xE100] =	vst v63  }
0x60: {  	_ = 	snop  }
0x61: {  	[tilespmem:s16], [sflag:$0x2] =	stream.indirect_vreg.gather [hbm4b:s8+s2], $0x80, v4, vm0, $0xb8;
	[tilespmem:$0xE100] =	vst v63  }
0x62: {  	_ = 	snop  }
0x63: {  	[tilespmem:s17], [sflag:$0x2] =	stream.indirect_vreg.gather [hbm4b:s3+s2], $0x80, v3, vm0, $0xb8;
	[tilespmem:$0xE100] =	vst v63  }
0x64: {  	_ = 	snop  }
0x65: {  	[tilespmem:s18], [sflag:$0x2] =	stream.indirect_vreg.gather [hbm4b:s7+s2], $0x80, v3, vm0, $0xb8;
	[tilespmem:$0xE100] =	vst v63  }
0x66: {  	_ = 	snop  }
0x67: {  	[tilespmem:s19], [sflag:$0x2] =	stream.indirect_vreg.gather [hbm4b:s8+s2], $0x80, v3, vm0, $0xb8;
	[tilespmem:$0xE100] =	vst v63  }
0x68: {  	_ =	swait.ge [sflag:s20], $0x2000  }
0x69: {  	[sflag:s20] =	ssyncset.done $0x0  }
0x6a: {  	[sflag:s20] =	ssyncadd.s32 $0xFFFFE000  }
0x6b: {  	_ =	swait.ge [sflag:s13], $0x6000  }
0x6c: {  	[sflag:s13] =	ssyncset.done $0x0  }
0x6d: {  	s23 =	simm.s32 $0x0;
	s24 =	simm.s32 $0x0;
	[sflag:s13] =	ssyncadd.s32 $0xFFFFA000  }
.LBB2_2:
0x6e: {  	s25 =	sshrl.u32 s24, $0x3  }
0x6f: {  	s25 =	smul.u32 $0x6000, s25;
	_ =	sdelay $0x1  }
0x70: {  	s29 =	sand.u32 $0x380, s23;
	s25 =	sshra.s32 s25, $0x2  }
0x71: {  	v3 =	vld [tilespmem:s22+$0x0];
	s25 =	sor.u32 s29, s25  }
0x72: {  	v4 =	vld [tilespmem:s25+$0x2100]  }
0x73: {  	v5 =	vld [tilespmem:s25+$0x2110]  }
0x74: {  	v6 =	vld [tilespmem:s25+$0x2120]  }
0x75: {  	v7 =	vld [tilespmem:s25+$0x2130]  }
0x76: {  	v8 =	vld [tilespmem:s25+$0x2140]  }
0x77: {  	v9 =	vld [tilespmem:s25+$0x2150];
	v4 =	vmul.f32 v4, v3  }
0x78: {  	v10 =	vld [tilespmem:s25+$0x2160];
	v5 =	vmul.f32 v5, v3  }
0x79: {  	v31 =	vld [tilespmem:s25+$0x2170];
	v30 =	vmul.f32 v6, v3;
	[tilespmem:s25+$0x2100] =	vst v4  }
0x7a: {  	v33 =	vld [tilespmem:s25+$0x2500];
	v32 =	vmul.f32 v7, v3;
	[tilespmem:s25+$0x2110] =	vst v5  }
0x7b: {  	v35 =	vld [tilespmem:s25+$0x2510];
	v34 =	vmul.f32 v8, v3;
	[tilespmem:s25+$0x2120] =	vst v30  }
0x7c: {  	v37 =	vld [tilespmem:s25+$0x2520];
	v36 =	vmul.f32 v9, v3;
	[tilespmem:s25+$0x2130] =	vst v32  }
0x7d: {  	v39 =	vld [tilespmem:s25+$0x2530];
	v38 =	vmul.f32 v10, v3;
	[tilespmem:s25+$0x2140] =	vst v34  }
0x7e: {  	v41 =	vld [tilespmem:s25+$0x2540];
	v40 =	vmul.f32 v31, v3;
	[tilespmem:s25+$0x2150] =	vst v36  }
0x7f: {  	v43 =	vld [tilespmem:s25+$0x2550];
	v42 =	vmul.f32 v33, v3;
	[tilespmem:s25+$0x2160] =	vst v38  }
0x80: {  	v45 =	vld [tilespmem:s25+$0x2560];
	v44 =	vmul.f32 v35, v3;
	[tilespmem:s25+$0x2170] =	vst v40  }
0x81: {  	v47 =	vld [tilespmem:s25+$0x2570];
	v46 =	vmul.f32 v37, v3;
	[tilespmem:s25+$0x2500] =	vst v42  }
0x82: {  	v49 =	vld [tilespmem:s25+$0x2900];
	v48 =	vmul.f32 v39, v3;
	[tilespmem:s25+$0x2510] =	vst v44  }
0x83: {  	v51 =	vld [tilespmem:s25+$0x2910];
	v50 =	vmul.f32 v41, v3;
	[tilespmem:s25+$0x2520] =	vst v46  }
0x84: {  	v53 =	vld [tilespmem:s25+$0x2920];
	v52 =	vmul.f32 v43, v3;
	[tilespmem:s25+$0x2530] =	vst v48  }
0x85: {  	v55 =	vld [tilespmem:s25+$0x2930];
	v54 =	vmul.f32 v45, v3;
	[tilespmem:s25+$0x2540] =	vst v50  }
0x86: {  	v57 =	vld [tilespmem:s25+$0x2940];
	v56 =	vmul.f32 v47, v3;
	[tilespmem:s25+$0x2550] =	vst v52  }
0x87: {  	v59 =	vld [tilespmem:s25+$0x2950];
	v58 =	vmul.f32 v49, v3;
	[tilespmem:s25+$0x2560] =	vst v54  }
0x88: {  	v61 =	vld [tilespmem:s25+$0x2960];
	v60 =	vmul.f32 v51, v3;
	[tilespmem:s25+$0x2570] =	vst v56  }
0x89: {  	v63 =	vld [tilespmem:s25+$0x2970];
	v62 =	vmul.f32 v53, v3;
	[tilespmem:s25+$0x2900] =	vst v58  }
0x8a: {  	v13 =	vld [tilespmem:s25+$0x2D00];
	v12 =	vmul.f32 v55, v3;
	[tilespmem:s25+$0x2910] =	vst v60  }
0x8b: {  	v15 =	vld [tilespmem:s25+$0x2D10];
	v14 =	vmul.f32 v57, v3;
	[tilespmem:s25+$0x2920] =	vst v62  }
0x8c: {  	v17 =	vld [tilespmem:s25+$0x2D20];
	v16 =	vmul.f32 v59, v3;
	[tilespmem:s25+$0x2930] =	vst v12  }
0x8d: {  	v19 =	vld [tilespmem:s25+$0x2D30];
	v18 =	vmul.f32 v61, v3;
	[tilespmem:s25+$0x2940] =	vst v14  }
0x8e: {  	v21 =	vld [tilespmem:s25+$0x2D40];
	v20 =	vmul.f32 v63, v3;
	[tilespmem:s25+$0x2950] =	vst v16  }
0x8f: {  	v23 =	vld [tilespmem:s25+$0x2D50];
	v22 =	vmul.f32 v13, v3;
	[tilespmem:s25+$0x2960] =	vst v18  }
0x90: {  	v25 =	vld [tilespmem:s25+$0x2D60];
	v24 =	vmul.f32 v15, v3;
	[tilespmem:s25+$0x2970] =	vst v20  }
0x91: {  	v27 =	vld [tilespmem:s25+$0x2D70];
	v26 =	vmul.f32 v17, v3;
	[tilespmem:s25+$0x2D00] =	vst v22  }
0x92: {  	v29 =	vld [tilespmem:s25+$0x3100];
	v28 =	vmul.f32 v19, v3;
	[tilespmem:s25+$0x2D10] =	vst v24  }
0x93: {  	v31 =	vld [tilespmem:s25+$0x3110];
	[tilespmem:s25+$0x2D20] =	vst v26;
	v30 =	vmul.f32 v21, v3  }
0x94: {  	v33 =	vld [tilespmem:s25+$0x3120];
	[tilespmem:s25+$0x2D30] =	vst v28;
	v32 =	vmul.f32 v23, v3  }
0x95: {  	v35 =	vld [tilespmem:s25+$0x3130];
	v34 =	vmul.f32 v25, v3;
	[tilespmem:s25+$0x2D40] =	vst v30  }
0x96: {  	v37 =	vld [tilespmem:s25+$0x3140];
	v36 =	vmul.f32 v27, v3;
	[tilespmem:s25+$0x2D50] =	vst v32  }
0x97: {  	v39 =	vld [tilespmem:s25+$0x3150];
	v38 =	vmul.f32 v29, v3;
	[tilespmem:s25+$0x2D60] =	vst v34  }
0x98: {  	v41 =	vld [tilespmem:s25+$0x3160];
	[tilespmem:s25+$0x2D70] =	vst v36;
	v40 =	vmul.f32 v31, v3  }
0x99: {  	v43 =	vld [tilespmem:s25+$0x3170];
	[tilespmem:s25+$0x3100] =	vst v38;
	v42 =	vmul.f32 v33, v3  }
0x9a: {  	v45 =	vld [tilespmem:s25+$0x3500];
	v44 =	vmul.f32 v35, v3;
	[tilespmem:s25+$0x3110] =	vst v40  }
0x9b: {  	v47 =	vld [tilespmem:s25+$0x3510];
	v46 =	vmul.f32 v37, v3;
	[tilespmem:s25+$0x3120] =	vst v42  }
0x9c: {  	v49 =	vld [tilespmem:s25+$0x3520];
	v48 =	vmul.f32 v39, v3;
	[tilespmem:s25+$0x3130] =	vst v44  }
0x9d: {  	v51 =	vld [tilespmem:s25+$0x3530];
	v50 =	vmul.f32 v41, v3;
	[tilespmem:s25+$0x3140] =	vst v46  }
0x9e: {  	v53 =	vld [tilespmem:s25+$0x3540];
	v52 =	vmul.f32 v43, v3;
	[tilespmem:s25+$0x3150] =	vst v48  }
0x9f: {  	v55 =	vld [tilespmem:s25+$0x3550];
	v54 =	vmul.f32 v45, v3;
	[tilespmem:s25+$0x3160] =	vst v50  }
0xa0: {  	v57 =	vld [tilespmem:s25+$0x3560];
	v56 =	vmul.f32 v47, v3;
	[tilespmem:s25+$0x3170] =	vst v52  }
0xa1: {  	v59 =	vld [tilespmem:s25+$0x3570];
	v58 =	vmul.f32 v49, v3;
	[tilespmem:s25+$0x3500] =	vst v54  }
0xa2: {  	v60 =	vmul.f32 v51, v3;
	[tilespmem:s25+$0x3510] =	vst v56  }
0xa3: {  	p0 =	sne.s32 s24, $0x1F;
	v61 =	vmul.f32 v53, v3;
	[tilespmem:s25+$0x3520] =	vst v58  }
.Ltmp0:
0xa4: {  	v62 =	vmul.f32 v55, v3;
	[tilespmem:s25+$0x3530] =	vst v60;
	(pc) =	sbr.rel @p0 .LBB2_2-.Ltmp0, $4  }
0xa5: {  	v63 =	vmul.f32 v57, v3;
	[tilespmem:s25+$0x3540] =	vst v61  }
0xa6: {  	v3 =	vmul.f32 v59, v3;
	[tilespmem:s25+$0x3550] =	vst v62  }
0xa7: {  	[tilespmem:s25+$0x3560] =	vst v63  }
0xa8: {  	s23 =	sadd.s32 $0x80, s23;
	s22 =	sadd.s32 $0x80, s22;
	s24 =	sadd.s32 $0x1, s24;
	[tilespmem:s25+$0x3570] =	vst v3  }
0xa9: {  	[hbm4b:s9+s2] =	stream.linear.scatter [tilespmem:s14], [sflag:$0x1], $0x6000, $0x38;
	[tilespmem:$0xE100] =	vst v63  }
0xaa: {  	_ =	swait.ge [sflag:s26], $0x6000  }
0xab: {  	s22 =	simm.s32 $0x20;
	[sflag:s26] =	ssyncset.done $0x0  }
0xac: {  	s23 =	simm.s32 $0x1000;
	s24 =	simm.s32 $0x1100;
	[sflag:s26] =	ssyncadd.s32 $0xFFFFA000  }
.LBB2_4:
0xad: {  	s25 =	sshrl.u32 s22, $0x3  }
0xae: {  	s25 =	smul.u32 $0x6000, s25;
	_ =	sdelay $0x1  }
0xaf: {  	s29 =	sand.u32 $0x380, s23;
	s25 =	sshra.s32 s25, $0x2  }
0xb0: {  	v3 =	vld [tilespmem:s24+$0x0];
	s25 =	sor.u32 s29, s25  }
0xb1: {  	v4 =	vld [tilespmem:s25+$0x2100]  }
0xb2: {  	v5 =	vld [tilespmem:s25+$0x2110]  }
0xb3: {  	v6 =	vld [tilespmem:s25+$0x2120]  }
0xb4: {  	v7 =	vld [tilespmem:s25+$0x2130]  }
0xb5: {  	v8 =	vld [tilespmem:s25+$0x2140]  }
0xb6: {  	v9 =	vld [tilespmem:s25+$0x2150];
	v4 =	vmul.f32 v4, v3  }
0xb7: {  	v10 =	vld [tilespmem:s25+$0x2160];
	v5 =	vmul.f32 v5, v3  }
0xb8: {  	v31 =	vld [tilespmem:s25+$0x2170];
	v30 =	vmul.f32 v6, v3;
	[tilespmem:s25+$0x2100] =	vst v4  }
0xb9: {  	v33 =	vld [tilespmem:s25+$0x2500];
	v32 =	vmul.f32 v7, v3;
	[tilespmem:s25+$0x2110] =	vst v5  }
0xba: {  	v35 =	vld [tilespmem:s25+$0x2510];
	v34 =	vmul.f32 v8, v3;
	[tilespmem:s25+$0x2120] =	vst v30  }
0xbb: {  	v37 =	vld [tilespmem:s25+$0x2520];
	v36 =	vmul.f32 v9, v3;
	[tilespmem:s25+$0x2130] =	vst v32  }
0xbc: {  	v39 =	vld [tilespmem:s25+$0x2530];
	v38 =	vmul.f32 v10, v3;
	[tilespmem:s25+$0x2140] =	vst v34  }
0xbd: {  	v41 =	vld [tilespmem:s25+$0x2540];
	v40 =	vmul.f32 v31, v3;
	[tilespmem:s25+$0x2150] =	vst v36  }
0xbe: {  	v43 =	vld [tilespmem:s25+$0x2550];
	v42 =	vmul.f32 v33, v3;
	[tilespmem:s25+$0x2160] =	vst v38  }
0xbf: {  	v45 =	vld [tilespmem:s25+$0x2560];
	v44 =	vmul.f32 v35, v3;
	[tilespmem:s25+$0x2170] =	vst v40  }
0xc0: {  	v47 =	vld [tilespmem:s25+$0x2570];
	v46 =	vmul.f32 v37, v3;
	[tilespmem:s25+$0x2500] =	vst v42  }
0xc1: {  	v49 =	vld [tilespmem:s25+$0x2900];
	v48 =	vmul.f32 v39, v3;
	[tilespmem:s25+$0x2510] =	vst v44  }
0xc2: {  	v51 =	vld [tilespmem:s25+$0x2910];
	v50 =	vmul.f32 v41, v3;
	[tilespmem:s25+$0x2520] =	vst v46  }
0xc3: {  	v53 =	vld [tilespmem:s25+$0x2920];
	v52 =	vmul.f32 v43, v3;
	[tilespmem:s25+$0x2530] =	vst v48  }
0xc4: {  	v55 =	vld [tilespmem:s25+$0x2930];
	v54 =	vmul.f32 v45, v3;
	[tilespmem:s25+$0x2540] =	vst v50  }
0xc5: {  	v57 =	vld [tilespmem:s25+$0x2940];
	v56 =	vmul.f32 v47, v3;
	[tilespmem:s25+$0x2550] =	vst v52  }
0xc6: {  	v59 =	vld [tilespmem:s25+$0x2950];
	v58 =	vmul.f32 v49, v3;
	[tilespmem:s25+$0x2560] =	vst v54  }
0xc7: {  	v61 =	vld [tilespmem:s25+$0x2960];
	v60 =	vmul.f32 v51, v3;
	[tilespmem:s25+$0x2570] =	vst v56  }
0xc8: {  	v63 =	vld [tilespmem:s25+$0x2970];
	v62 =	vmul.f32 v53, v3;
	[tilespmem:s25+$0x2900] =	vst v58  }
0xc9: {  	v13 =	vld [tilespmem:s25+$0x2D00];
	v12 =	vmul.f32 v55, v3;
	[tilespmem:s25+$0x2910] =	vst v60  }
0xca: {  	v15 =	vld [tilespmem:s25+$0x2D10];
	v14 =	vmul.f32 v57, v3;
	[tilespmem:s25+$0x2920] =	vst v62  }
0xcb: {  	v17 =	vld [tilespmem:s25+$0x2D20];
	v16 =	vmul.f32 v59, v3;
	[tilespmem:s25+$0x2930] =	vst v12  }
0xcc: {  	v19 =	vld [tilespmem:s25+$0x2D30];
	v18 =	vmul.f32 v61, v3;
	[tilespmem:s25+$0x2940] =	vst v14  }
0xcd: {  	v21 =	vld [tilespmem:s25+$0x2D40];
	v20 =	vmul.f32 v63, v3;
	[tilespmem:s25+$0x2950] =	vst v16  }
0xce: {  	v23 =	vld [tilespmem:s25+$0x2D50];
	v22 =	vmul.f32 v13, v3;
	[tilespmem:s25+$0x2960] =	vst v18  }
0xcf: {  	v25 =	vld [tilespmem:s25+$0x2D60];
	v24 =	vmul.f32 v15, v3;
	[tilespmem:s25+$0x2970] =	vst v20  }
0xd0: {  	v27 =	vld [tilespmem:s25+$0x2D70];
	v26 =	vmul.f32 v17, v3;
	[tilespmem:s25+$0x2D00] =	vst v22  }
0xd1: {  	v29 =	vld [tilespmem:s25+$0x3100];
	v28 =	vmul.f32 v19, v3;
	[tilespmem:s25+$0x2D10] =	vst v24  }
0xd2: {  	v31 =	vld [tilespmem:s25+$0x3110];
	[tilespmem:s25+$0x2D20] =	vst v26;
	v30 =	vmul.f32 v21, v3  }
0xd3: {  	v33 =	vld [tilespmem:s25+$0x3120];
	[tilespmem:s25+$0x2D30] =	vst v28;
	v32 =	vmul.f32 v23, v3  }
0xd4: {  	v35 =	vld [tilespmem:s25+$0x3130];
	v34 =	vmul.f32 v25, v3;
	[tilespmem:s25+$0x2D40] =	vst v30  }
0xd5: {  	v37 =	vld [tilespmem:s25+$0x3140];
	v36 =	vmul.f32 v27, v3;
	[tilespmem:s25+$0x2D50] =	vst v32  }
0xd6: {  	v39 =	vld [tilespmem:s25+$0x3150];
	v38 =	vmul.f32 v29, v3;
	[tilespmem:s25+$0x2D60] =	vst v34  }
0xd7: {  	v41 =	vld [tilespmem:s25+$0x3160];
	[tilespmem:s25+$0x2D70] =	vst v36;
	v40 =	vmul.f32 v31, v3  }
0xd8: {  	v43 =	vld [tilespmem:s25+$0x3170];
	[tilespmem:s25+$0x3100] =	vst v38;
	v42 =	vmul.f32 v33, v3  }
0xd9: {  	v45 =	vld [tilespmem:s25+$0x3500];
	v44 =	vmul.f32 v35, v3;
	[tilespmem:s25+$0x3110] =	vst v40  }
0xda: {  	v47 =	vld [tilespmem:s25+$0x3510];
	v46 =	vmul.f32 v37, v3;
	[tilespmem:s25+$0x3120] =	vst v42  }
0xdb: {  	v49 =	vld [tilespmem:s25+$0x3520];
	v48 =	vmul.f32 v39, v3;
	[tilespmem:s25+$0x3130] =	vst v44  }
0xdc: {  	v51 =	vld [tilespmem:s25+$0x3530];
	v50 =	vmul.f32 v41, v3;
	[tilespmem:s25+$0x3140] =	vst v46  }
0xdd: {  	v53 =	vld [tilespmem:s25+$0x3540];
	v52 =	vmul.f32 v43, v3;
	[tilespmem:s25+$0x3150] =	vst v48  }
0xde: {  	v55 =	vld [tilespmem:s25+$0x3550];
	v54 =	vmul.f32 v45, v3;
	[tilespmem:s25+$0x3160] =	vst v50  }
0xdf: {  	v57 =	vld [tilespmem:s25+$0x3560];
	v56 =	vmul.f32 v47, v3;
	[tilespmem:s25+$0x3170] =	vst v52  }
0xe0: {  	v59 =	vld [tilespmem:s25+$0x3570];
	v58 =	vmul.f32 v49, v3;
	[tilespmem:s25+$0x3500] =	vst v54  }
0xe1: {  	v60 =	vmul.f32 v51, v3;
	[tilespmem:s25+$0x3510] =	vst v56  }
0xe2: {  	p0 =	sne.s32 s22, $0x3F;
	v61 =	vmul.f32 v53, v3;
	[tilespmem:s25+$0x3520] =	vst v58  }
.Ltmp1:
0xe3: {  	v62 =	vmul.f32 v55, v3;
	[tilespmem:s25+$0x3530] =	vst v60;
	(pc) =	sbr.rel @p0 .LBB2_4-.Ltmp1, $4  }
0xe4: {  	v63 =	vmul.f32 v57, v3;
	[tilespmem:s25+$0x3540] =	vst v61  }
0xe5: {  	v3 =	vmul.f32 v59, v3;
	[tilespmem:s25+$0x3550] =	vst v62  }
0xe6: {  	[tilespmem:s25+$0x3560] =	vst v63  }
0xe7: {  	s23 =	sadd.s32 $0x80, s23;
	s24 =	sadd.s32 $0x80, s24;
	s22 =	sadd.s32 $0x1, s22;
	[tilespmem:s25+$0x3570] =	vst v3  }
0xe8: {  	[hbm4b:s10+s2] =	stream.linear.scatter [tilespmem:s28], [sflag:$0x2], $0x6000, $0x38;
	[tilespmem:$0xE100] =	vst v63  }
0xe9: {  	s21 =	sadd.s32 $0x1, s21  }
0xea: {  	_ =	swait.ge [sflag:s26], $0x6000;
	p0 =	sne.s32 s21, s11  }
.Ltmp2:
0xeb: {  	[sflag:s26] =	ssyncset.done $0x0;
	(pc) =	sbr.rel @p0 .LBB2_1-.Ltmp2, $4  }
0xec: {  	[sflag:s26] =	ssyncadd.s32 $0xFFFFA000  }
0xed: {  	_ =	swait.ge [sflag:s13], $0x6000  }
0xee: {  	[sflag:s13] =	ssyncset.done $0x0  }
0xef: {  	[sflag:s13] =	ssyncadd.s32 $0xFFFFA000  }
0xf0: {  	_ =	sfence.sel $0x180000  }
0xf1: {  	[bflag:$0x0] =	sbarrier.arrive $0xFFFF  }
0xf2: {  	_ =	strace $0x9000004A  }
0xf3: {  	s0 =	stileid.u32;
	[bflag:$0x2] =	sbarrier.arrive $0xFFFF  }
0xf4: {  	p0 =	sne.s32 s0, $0x0;
	s0 =	rddreg [dreg:$0x2]  }
0xf5: {  	s0 =	sadd.s32 @!p0 $0x100000, s0  }
0xf6: {  	[sflag:s0] =	ssyncadd.tile.s32 @!p0 $0x1;
	_ =	shalt  }
.Lfunc_end2:
_tile_overlayer_lowered:
.L_overlay_start_2:
0xf7: {  	(tag) =	ssettag $0x2  }
0xf8: {  	s0 =	rddreg [dreg:$0x0];
	s2 =	stileid.u32  }
0xf9: {  	s1 =	rddreg [dreg:$0x1];
	p0 =	sne.s32 s2, $0x0  }
0xfa: {  	s3 =	rddreg [dreg:$0x2];
	[bflag:$0x3] =	sbarrier.arrive $0xFFFF;
	s2 =	simm.s32 @!p0 $0x1C04  }
0xfb: {  	[timem:s3], [sflag:s2] =	dma.local @!p0 [hbm:s0], s1  }
0xfc: {  	s0 =	simm.s32 @!p0 $0x4  }
0xfd: {  	_ =	swait.ge @!p0 [sflag:s0], s1  }
0xfe: {  	s1 =	ssub.s32 @!p0 $0x0, s1;
	[sflag:s0] =	ssyncset.done @!p0 $0x0  }
0xff: {  	[sflag:s0] =	ssyncadd.s32 @!p0 s1  }
0x100: {  	[bflag:$0x3] =	sbarrier.arrive $0xFFFF  }
0x101: {  	_ =	shalt  }

</sc_bundles>
